<compile_context>
chip_gen: v7x
topology: tpu7x:2x2x1
jax: 0.10.2.dev20260603
libtpu: 0.0.44.dev20260713+nightly
codegen_flags: <defaults>
</compile_context>

<pallas_src>
import functools

import jax
import jax.numpy as jnp
from jax import lax
from jax.experimental import pallas as pl
from jax.experimental.pallas import tpu as pltpu
from jax.experimental.pallas import tpu_sc as plsc

_NUM_WORKERS = 32
_LANES = 16
_CP = 8
_CL = 32
_NPAIRS = 3


def _softplus_vec(p):
    u = jnp.exp(-jnp.abs(p))
    w = 1.0 + u
    y = 2.0 * u / (2.0 + u)
    y = y + w * jnp.exp(-y) - 1.0
    y = y + w * jnp.exp(-y) - 1.0
    y = y + w * jnp.exp(-y) - 1.0
    return jnp.maximum(p, 0.0) + y


@functools.lru_cache(maxsize=None)
def _sc_call(nrows, ncols):
    cols_per_worker = ncols // _NUM_WORKERS
    assert ncols % _NUM_WORKERS == 0
    assert nrows == _CP + 2 * _NPAIRS * _CL
    assert cols_per_worker % _LANES == 0
    mesh = plsc.VectorSubcoreMesh(core_axis_name="c", subcore_axis_name="s")

    @functools.partial(
        pl.kernel,
        out_type=jax.ShapeDtypeStruct((nrows, ncols), jnp.float32),
        mesh=mesh,
        compiler_params=pltpu.CompilerParams(needs_layout_passes=False),
        scratch_types=[
            pltpu.VMEM((32,), jnp.float32),
            pltpu.VMEM((32,), jnp.float32),
            pltpu.VMEM((32,), jnp.float32),
            pltpu.VMEM((2, _CL, cols_per_worker), jnp.float32),
            pltpu.VMEM((2, _CL, cols_per_worker), jnp.int32),
            pltpu.VMEM((2, _CL, cols_per_worker), jnp.float32),
            pltpu.SemaphoreType.DMA,
            pltpu.SemaphoreType.DMA,
            pltpu.SemaphoreType.DMA,
            pltpu.SemaphoreType.DMA,
            pltpu.SemaphoreType.DMA,
            pltpu.SemaphoreType.DMA,
            pltpu.SemaphoreType.DMA,
        ],
    )
    def body(x_hbm, h_hbm, pat_hbm, zl_hbm, out_hbm,
             pat_v, zl_v, tab_v, x_v, h_v, o_v,
             sx0, sx1, sh0, sh1, so0, so1, sp):
        wid = lax.axis_index("s") * 2 + lax.axis_index("c")
        cols = pl.ds(wid * cols_per_worker, cols_per_worker)

        def in_start(row0, rc, b, dst_rows, semx, semh):
            cx = pltpu.make_async_copy(
                x_hbm.at[pl.ds(row0, rc), cols], x_v.at[b, dst_rows], semx)
            cx.start()
            chh = pltpu.make_async_copy(
                h_hbm.at[pl.ds(row0, rc), cols], h_v.at[b, dst_rows], semh)
            chh.start()
            return cx, chh

        def in_wait(row0, rc, b, dst_rows, semx, semh):
            pltpu.make_async_copy(
                x_hbm.at[pl.ds(row0, rc), cols], x_v.at[b, dst_rows], semx).wait()
            pltpu.make_async_copy(
                h_hbm.at[pl.ds(row0, rc), cols], h_v.at[b, dst_rows], semh).wait()

        def out_start(row0, rc, b, src_rows, sem):
            pltpu.make_async_copy(
                o_v.at[b, src_rows], out_hbm.at[pl.ds(row0, rc), cols], sem
            ).start()

        def out_wait(row0, rc, b, src_rows, sem):
            pltpu.make_async_copy(
                o_v.at[b, src_rows], out_hbm.at[pl.ds(row0, rc), cols], sem
            ).wait()

        def compute(b, rc):
            @plsc.parallel_loop(0, rc, step=1, unroll=2)
            def _(r):
                @plsc.parallel_loop(0, cols_per_worker, step=_LANES, unroll=4)
                def _(s):
                    sl = pl.ds(s, _LANES)
                    mv = plsc.load_gather(tab_v, [h_v[b, r, sl]])
                    o_v[b, r, sl] = x_v[b, r, sl] * mv

        p_rows = pl.ds(0, _CP)
        full = pl.ds(0, _CL)

        in_start(0, _CP, 0, p_rows, sx0, sh0)
        in_start(_CP, _CL, 1, full, sx1, sh1)

        cp_ = pltpu.make_async_copy(pat_hbm, pat_v.at[pl.ds(0, 24)], sp)
        cp_.start()
        cz = pltpu.make_async_copy(zl_hbm, zl_v.at[pl.ds(0, 24)], sp)
        cz.start()
        cp_.wait()
        cz.wait()
        for j in range(2):
            sl = pl.ds(j * _LANES, _LANES)
            sp_v = _softplus_vec(pat_v[sl])
            one_minus_sig = 1.0 / (1.0 + jnp.exp(zl_v[sl]))
            tab_v[sl] = sp_v * one_minus_sig

        in_wait(0, _CP, 0, p_rows, sx0, sh0)
        compute(0, _CP)
        out_start(0, _CP, 0, p_rows, sp)

        def pair(i, carry):
            r1 = _CP + 2 * i * _CL
            r2 = r1 + _CL
            in_start(r2, _CL, 0, full, sx0, sh0)
            in_wait(r1, _CL, 1, full, sx1, sh1)

            @pl.when(i > 0)
            def _():
                out_wait(r1 - 2 * _CL, _CL, 1, full, so1)

            compute(1, _CL)
            out_start(r1, _CL, 1, full, so1)

            @pl.when(i < _NPAIRS - 1)
            def _():
                in_start(r2 + _CL, _CL, 1, full, sx1, sh1)

            in_wait(r2, _CL, 0, full, sx0, sh0)

            @pl.when(i == 0)
            def _():
                out_wait(0, _CP, 0, p_rows, sp)

            @pl.when(i > 0)
            def _():
                out_wait(r2 - 2 * _CL, _CL, 0, full, so0)

            compute(0, _CL)
            out_start(r2, _CL, 0, full, so0)
            return carry

        lax.fori_loop(0, _NPAIRS, pair, 0)

        last = _CP + (2 * _NPAIRS - 1) * _CL
        out_wait(last - _CL, _CL, 1, full, so1)
        out_wait(last, _CL, 0, full, so0)

    return body


def kernel(x, hour_indices, pattern, zero_logits):
    nrows, ncols = x.shape
    xt = x.T
    ht = hour_indices.T.astype(jnp.int32)
    pat = pattern.astype(jnp.float32)
    zl = zero_logits.astype(jnp.float32)
    out_t = _sc_call(ncols, nrows)(xt, ht, pat, zl)
    return out_t.T

# --- scband reference (transcript-rebuilt; emitter-appended) ---
"""Pipeline reference for scband-learnable-daily-pattern-64175401337579 (READ-ONLY COPY).

The authoritative reference and input builder live on the scoring server;
editing this copy changes nothing except your own understanding.
"""

import jax, jax.numpy as jnp
import numpy as np

B, T, PERIOD = 16384, 200, 24

def setup_inputs(seed: int = 0) -> dict:
    key = jax.random.key(seed)
    k1, k2 = jax.random.split(key)
    x = jax.random.normal(k1, (B, T), dtype=jnp.float32)
    hour_indices = jax.random.randint(k2, (B, T), 0, PERIOD, dtype=jnp.int64 if jax.config.read('jax_enable_x64') else jnp.int32)
    # learned parameters per __init__: pattern=ones(period), zero_logits=zeros(period)
    pattern = jnp.ones((PERIOD,), dtype=jnp.float32)
    zero_logits = jnp.zeros((PERIOD,), dtype=jnp.float32)
    return {"x": x, "hour_indices": hour_indices, "pattern": pattern, "zero_logits": zero_logits}

def reference(x, hour_indices, pattern, zero_logits):
    # get_pattern: embedding-style gather from the 24-entry tables
    scale = jax.nn.softplus(jnp.take(pattern, hour_indices, axis=0))
    zero_prob = jax.nn.sigmoid(jnp.take(zero_logits, hour_indices, axis=0))
    # add_pattern (re-seasonalize): x * scale * (1 - zero_prob)
    return x * scale * (1.0 - zero_prob)

if __name__ == "__main__":
    import jax
    _d = setup_inputs()
    print(jax.jit(kernel)(*tuple(_d.values())))

</pallas_src>

<mosaic_0001>
#map = affine_map<(d0, d1) -> (0, 0)>
#map1 = affine_map<(d0, d1) -> (0)>
module attributes {stable_mosaic.version = 14 : i64} {
  func.func @body(%arg0: i32, %arg1: i32, %arg2: memref<200x16384xf32, #tpu.memory_space<hbm>>, %arg3: memref<200x16384xi32, #tpu.memory_space<hbm>>, %arg4: memref<24xf32, #tpu.memory_space<hbm>>, %arg5: memref<24xf32, #tpu.memory_space<hbm>>, %arg6: memref<200x16384xf32, #tpu.memory_space<hbm>>, %arg7: memref<32xf32, #tpu.memory_space<vmem>>, %arg8: memref<32xf32, #tpu.memory_space<vmem>>, %arg9: memref<32xf32, #tpu.memory_space<vmem>>, %arg10: memref<2x32x512xf32, #tpu.memory_space<vmem>>, %arg11: memref<2x32x512xi32, #tpu.memory_space<vmem>>, %arg12: memref<2x32x512xf32, #tpu.memory_space<vmem>>, %arg13: memref<!tpu.dma_semaphore, #tpu.memory_space<semaphore_mem>>, %arg14: memref<!tpu.dma_semaphore, #tpu.memory_space<semaphore_mem>>, %arg15: memref<!tpu.dma_semaphore, #tpu.memory_space<semaphore_mem>>, %arg16: memref<!tpu.dma_semaphore, #tpu.memory_space<semaphore_mem>>, %arg17: memref<!tpu.dma_semaphore, #tpu.memory_space<semaphore_mem>>, %arg18: memref<!tpu.dma_semaphore, #tpu.memory_space<semaphore_mem>>, %arg19: memref<!tpu.dma_semaphore, #tpu.memory_space<semaphore_mem>>) attributes {dimension_semantics = [#tpu.dimension_semantics<core_parallel>, #tpu.dimension_semantics<subcore_parallel>], iteration_bounds = array<i64: 2, 16>, scalar_prefetch = 0 : i64, scratch_operands = 13 : i64, tpu.core_type = #tpu.core_type<sc_vector_subcore>, window_params = [{transform_indices = #map}, {transform_indices = #map}, {transform_indices = #map1}, {transform_indices = #map1}, {transform_indices = #map}]} {
    %mul3A = arith.constant 2 : i32
    %mul3A_0 = arith.muli %arg1, %mul3A : i32
    %add3A = arith.addi %mul3A_0, %arg0 : i32
    %mul3A_1 = arith.constant 512 : i32
    %mul3A_2 = arith.muli %add3A, %mul3A_1 : i32
    %dma_start3A = arith.constant 0 : i32
    %dma_start3A_3 = arith.constant 0 : i32
    %dma_start3A_4 = arith.constant 0 : i32
    %dma_start3A_5 = tpu.memref_slice %arg10[%dma_start3A, %dma_start3A_3, %dma_start3A_4] : memref<2x32x512xf32, #tpu.memory_space<vmem>> -> memref<1x8x512xf32, #tpu.memory_space<vmem>>
    %dma_start3A_6 = tpu.memref_squeeze %dma_start3A_5 : memref<1x8x512xf32, #tpu.memory_space<vmem>> -> memref<8x512xf32, #tpu.memory_space<vmem>>
    %dma_start3A_7 = arith.constant 0 : i32
    %dma_start3A_8 = tpu.memref_slice %arg2[%dma_start3A_7, %mul3A_2] : memref<200x16384xf32, #tpu.memory_space<hbm>> -> memref<8x512xf32, #tpu.memory_space<hbm>>
    %dma_start3A_9 = arith.constant 0 : i32
    %dma_start3A_10 = arith.constant 0 : i32
    %dma_start3A_11 = tpu.memref_slice %arg10[%dma_start3A, %dma_start3A_9, %dma_start3A_10] : memref<2x32x512xf32, #tpu.memory_space<vmem>> -> memref<1x8x512xf32, #tpu.memory_space<vmem>>
    %dma_start3A_12 = tpu.memref_squeeze %dma_start3A_11 : memref<1x8x512xf32, #tpu.memory_space<vmem>> -> memref<8x512xf32, #tpu.memory_space<vmem>>
    %dma_start3A_13 = arith.constant 0 : i32
    %dma_start3A_14 = tpu.memref_slice %arg2[%dma_start3A_13, %mul3A_2] : memref<200x16384xf32, #tpu.memory_space<hbm>> -> memref<8x512xf32, #tpu.memory_space<hbm>>
    tpu.enqueue_dma source(%dma_start3A_14 : memref<8x512xf32, #tpu.memory_space<hbm>>) target(%dma_start3A_12 : memref<8x512xf32, #tpu.memory_space<vmem>>) target_semaphore(%arg13 : memref<!tpu.dma_semaphore, #tpu.memory_space<semaphore_mem>>)
    %dma_start3A_15 = arith.constant 0 : i32
    %dma_start3A_16 = arith.constant 0 : i32
    %dma_start3A_17 = arith.constant 0 : i32
    %dma_start3A_18 = tpu.memref_slice %arg11[%dma_start3A_15, %dma_start3A_16, %dma_start3A_17] : memref<2x32x512xi32, #tpu.memory_space<vmem>> -> memref<1x8x512xi32, #tpu.memory_space<vmem>>
    %dma_start3A_19 = tpu.memref_squeeze %dma_start3A_18 : memref<1x8x512xi32, #tpu.memory_space<vmem>> -> memref<8x512xi32, #tpu.memory_space<vmem>>
    %dma_start3A_20 = arith.constant 0 : i32
    %dma_start3A_21 = tpu.memref_slice %arg3[%dma_start3A_20, %mul3A_2] : memref<200x16384xi32, #tpu.memory_space<hbm>> -> memref<8x512xi32, #tpu.memory_space<hbm>>
    %dma_start3A_22 = arith.constant 0 : i32
    %dma_start3A_23 = arith.constant 0 : i32
    %dma_start3A_24 = tpu.memref_slice %arg11[%dma_start3A_15, %dma_start3A_22, %dma_start3A_23] : memref<2x32x512xi32, #tpu.memory_space<vmem>> -> memref<1x8x512xi32, #tpu.memory_space<vmem>>
    %dma_start3A_25 = tpu.memref_squeeze %dma_start3A_24 : memref<1x8x512xi32, #tpu.memory_space<vmem>> -> memref<8x512xi32, #tpu.memory_space<vmem>>
    %dma_start3A_26 = arith.constant 0 : i32
    %dma_start3A_27 = tpu.memref_slice %arg3[%dma_start3A_26, %mul3A_2] : memref<200x16384xi32, #tpu.memory_space<hbm>> -> memref<8x512xi32, #tpu.memory_space<hbm>>
    tpu.enqueue_dma source(%dma_start3A_27 : memref<8x512xi32, #tpu.memory_space<hbm>>) target(%dma_start3A_25 : memref<8x512xi32, #tpu.memory_space<vmem>>) target_semaphore(%arg15 : memref<!tpu.dma_semaphore, #tpu.memory_space<semaphore_mem>>)
    %dma_start3A_28 = arith.constant 1 : i32
    %dma_start3A_29 = arith.constant 0 : i32
    %dma_start3A_30 = arith.constant 0 : i32
    %dma_start3A_31 = tpu.memref_slice %arg10[%dma_start3A_28, %dma_start3A_29, %dma_start3A_30] : memref<2x32x512xf32, #tpu.memory_space<vmem>> -> memref<1x32x512xf32, #tpu.memory_space<vmem>>
    %dma_start3A_32 = tpu.memref_squeeze %dma_start3A_31 : memref<1x32x512xf32, #tpu.memory_space<vmem>> -> memref<32x512xf32, #tpu.memory_space<vmem>>
    %dma_start3A_33 = arith.constant 8 : i32
    %dma_start3A_34 = tpu.memref_slice %arg2[%dma_start3A_33, %mul3A_2] : memref<200x16384xf32, #tpu.memory_space<hbm>> -> memref<32x512xf32, #tpu.memory_space<hbm>>
    %dma_start3A_35 = arith.constant 0 : i32
    %dma_start3A_36 = arith.constant 0 : i32
    %dma_start3A_37 = tpu.memref_slice %arg10[%dma_start3A_28, %dma_start3A_35, %dma_start3A_36] : memref<2x32x512xf32, #tpu.memory_space<vmem>> -> memref<1x32x512xf32, #tpu.memory_space<vmem>>
    %dma_start3A_38 = tpu.memref_squeeze %dma_start3A_37 : memref<1x32x512xf32, #tpu.memory_space<vmem>> -> memref<32x512xf32, #tpu.memory_space<vmem>>
    %dma_start3A_39 = arith.constant 8 : i32
    %dma_start3A_40 = tpu.memref_slice %arg2[%dma_start3A_39, %mul3A_2] : memref<200x16384xf32, #tpu.memory_space<hbm>> -> memref<32x512xf32, #tpu.memory_space<hbm>>
    tpu.enqueue_dma source(%dma_start3A_40 : memref<32x512xf32, #tpu.memory_space<hbm>>) target(%dma_start3A_38 : memref<32x512xf32, #tpu.memory_space<vmem>>) target_semaphore(%arg14 : memref<!tpu.dma_semaphore, #tpu.memory_space<semaphore_mem>>)
    %dma_start3A_41 = arith.constant 1 : i32
    %dma_start3A_42 = arith.constant 0 : i32
    %dma_start3A_43 = arith.constant 0 : i32
    %dma_start3A_44 = tpu.memref_slice %arg11[%dma_start3A_41, %dma_start3A_42, %dma_start3A_43] : memref<2x32x512xi32, #tpu.memory_space<vmem>> -> memref<1x32x512xi32, #tpu.memory_space<vmem>>
    %dma_start3A_45 = tpu.memref_squeeze %dma_start3A_44 : memref<1x32x512xi32, #tpu.memory_space<vmem>> -> memref<32x512xi32, #tpu.memory_space<vmem>>
    %dma_start3A_46 = arith.constant 8 : i32
    %dma_start3A_47 = tpu.memref_slice %arg3[%dma_start3A_46, %mul3A_2] : memref<200x16384xi32, #tpu.memory_space<hbm>> -> memref<32x512xi32, #tpu.memory_space<hbm>>
    %dma_start3A_48 = arith.constant 0 : i32
    %dma_start3A_49 = arith.constant 0 : i32
    %dma_start3A_50 = tpu.memref_slice %arg11[%dma_start3A_41, %dma_start3A_48, %dma_start3A_49] : memref<2x32x512xi32, #tpu.memory_space<vmem>> -> memref<1x32x512xi32, #tpu.memory_space<vmem>>
    %dma_start3A_51 = tpu.memref_squeeze %dma_start3A_50 : memref<1x32x512xi32, #tpu.memory_space<vmem>> -> memref<32x512xi32, #tpu.memory_space<vmem>>
    %dma_start3A_52 = arith.constant 8 : i32
    %dma_start3A_53 = tpu.memref_slice %arg3[%dma_start3A_52, %mul3A_2] : memref<200x16384xi32, #tpu.memory_space<hbm>> -> memref<32x512xi32, #tpu.memory_space<hbm>>
    tpu.enqueue_dma source(%dma_start3A_53 : memref<32x512xi32, #tpu.memory_space<hbm>>) target(%dma_start3A_51 : memref<32x512xi32, #tpu.memory_space<vmem>>) target_semaphore(%arg16 : memref<!tpu.dma_semaphore, #tpu.memory_space<semaphore_mem>>)
    %dma_start3A_54 = arith.constant 0 : i32
    %dma_start3A_55 = tpu.memref_slice %arg7[%dma_start3A_54] : memref<32xf32, #tpu.memory_space<vmem>> -> memref<24xf32, #tpu.memory_space<vmem>>
    %dma_start3A_56 = arith.constant 0 : i32
    %dma_start3A_57 = tpu.memref_slice %arg7[%dma_start3A_56] : memref<32xf32, #tpu.memory_space<vmem>> -> memref<24xf32, #tpu.memory_space<vmem>>
    tpu.enqueue_dma source(%arg4 : memref<24xf32, #tpu.memory_space<hbm>>) target(%dma_start3A_57 : memref<24xf32, #tpu.memory_space<vmem>>) target_semaphore(%arg19 : memref<!tpu.dma_semaphore, #tpu.memory_space<semaphore_mem>>)
    %dma_start3A_58 = arith.constant 0 : i32
    %dma_start3A_59 = tpu.memref_slice %arg8[%dma_start3A_58] : memref<32xf32, #tpu.memory_space<vmem>> -> memref<24xf32, #tpu.memory_space<vmem>>
    %dma_start3A_60 = arith.constant 0 : i32
    %dma_start3A_61 = tpu.memref_slice %arg8[%dma_start3A_60] : memref<32xf32, #tpu.memory_space<vmem>> -> memref<24xf32, #tpu.memory_space<vmem>>
    tpu.enqueue_dma source(%arg5 : memref<24xf32, #tpu.memory_space<hbm>>) target(%dma_start3A_61 : memref<24xf32, #tpu.memory_space<vmem>>) target_semaphore(%arg19 : memref<!tpu.dma_semaphore, #tpu.memory_space<semaphore_mem>>)
    %dma_wait3A = arith.constant 0 : i32
    %dma_wait3A_62 = tpu.memref_slice %arg7[%dma_wait3A] : memref<32xf32, #tpu.memory_space<vmem>> -> memref<24xf32, #tpu.memory_space<vmem>>
    %dma_wait3A_63 = arith.constant 0 : i32
    %dma_wait3A_64 = tpu.memref_slice %arg7[%dma_wait3A_63] : memref<32xf32, #tpu.memory_space<vmem>> -> memref<24xf32, #tpu.memory_space<vmem>>
    tpu.wait_dma2 semaphore(%arg19 : memref<!tpu.dma_semaphore, #tpu.memory_space<semaphore_mem>>) src(%arg4 : memref<24xf32, #tpu.memory_space<hbm>>) dst(%dma_wait3A_64 : memref<24xf32, #tpu.memory_space<vmem>>)
    %dma_wait3A_65 = arith.constant 0 : i32
    %dma_wait3A_66 = tpu.memref_slice %arg8[%dma_wait3A_65] : memref<32xf32, #tpu.memory_space<vmem>> -> memref<24xf32, #tpu.memory_space<vmem>>
    %dma_wait3A_67 = arith.constant 0 : i32
    %dma_wait3A_68 = tpu.memref_slice %arg8[%dma_wait3A_67] : memref<32xf32, #tpu.memory_space<vmem>> -> memref<24xf32, #tpu.memory_space<vmem>>
    tpu.wait_dma2 semaphore(%arg19 : memref<!tpu.dma_semaphore, #tpu.memory_space<semaphore_mem>>) src(%arg5 : memref<24xf32, #tpu.memory_space<hbm>>) dst(%dma_wait3A_68 : memref<24xf32, #tpu.memory_space<vmem>>)
    %get3A = arith.constant 0 : index
    %get3A_69 = tpu.vector_load %arg7[%get3A] {strides = array<i32>} : memref<32xf32, #tpu.memory_space<vmem>>, vector<16xf32>,
    %abs3A = math.absf %get3A_69 : vector<16xf32>
    %neg3A = arith.constant 0.000000e+00 : f32
    %neg3A_70 = vector.broadcast %neg3A : f32 to vector<16xf32>
    %neg3A_71 = arith.subf %neg3A_70, %abs3A : vector<16xf32>
    %exp3A = math.exp %neg3A_71 : vector<16xf32>
    %add3A_72 = arith.constant 1.000000e+00 : f32
    %add3A_73 = vector.broadcast %add3A_72 : f32 to vector<16xf32>
    %add3A_74 = arith.addf %add3A_73, %exp3A : vector<16xf32>
    %mul3A_75 = arith.constant 2.000000e+00 : f32
    %mul3A_76 = vector.broadcast %mul3A_75 : f32 to vector<16xf32>
    %mul3A_77 = arith.mulf %mul3A_76, %exp3A : vector<16xf32>
    %add3A_78 = arith.constant 2.000000e+00 : f32
    %add3A_79 = vector.broadcast %add3A_78 : f32 to vector<16xf32>
    %add3A_80 = arith.addf %add3A_79, %exp3A : vector<16xf32>
    %div3A = arith.divf %mul3A_77, %add3A_80 : vector<16xf32>
    %neg3A_81 = arith.constant 0.000000e+00 : f32
    %neg3A_82 = vector.broadcast %neg3A_81 : f32 to vector<16xf32>
    %neg3A_83 = arith.subf %neg3A_82, %div3A : vector<16xf32>
    %exp3A_84 = math.exp %neg3A_83 : vector<16xf32>
    %mul3A_85 = arith.mulf %add3A_74, %exp3A_84 : vector<16xf32>
    %add3A_86 = arith.addf %div3A, %mul3A_85 : vector<16xf32>
    %sub3A = arith.constant 1.000000e+00 : f32
    %sub3A_87 = vector.broadcast %sub3A : f32 to vector<16xf32>
    %sub3A_88 = arith.subf %add3A_86, %sub3A_87 : vector<16xf32>
    %neg3A_89 = arith.constant 0.000000e+00 : f32
    %neg3A_90 = vector.broadcast %neg3A_89 : f32 to vector<16xf32>
    %neg3A_91 = arith.subf %neg3A_90, %sub3A_88 : vector<16xf32>
    %exp3A_92 = math.exp %neg3A_91 : vector<16xf32>
    %mul3A_93 = arith.mulf %add3A_74, %exp3A_92 : vector<16xf32>
    %add3A_94 = arith.addf %sub3A_88, %mul3A_93 : vector<16xf32>
    %sub3A_95 = arith.constant 1.000000e+00 : f32
    %sub3A_96 = vector.broadcast %sub3A_95 : f32 to vector<16xf32>
    %sub3A_97 = arith.subf %add3A_94, %sub3A_96 : vector<16xf32>
    %neg3A_98 = arith.constant 0.000000e+00 : f32
    %neg3A_99 = vector.broadcast %neg3A_98 : f32 to vector<16xf32>
    %neg3A_100 = arith.subf %neg3A_99, %sub3A_97 : vector<16xf32>
    %exp3A_101 = math.exp %neg3A_100 : vector<16xf32>
    %mul3A_102 = arith.mulf %add3A_74, %exp3A_101 : vector<16xf32>
    %add3A_103 = arith.addf %sub3A_97, %mul3A_102 : vector<16xf32>
    %sub3A_104 = arith.constant 1.000000e+00 : f32
    %sub3A_105 = vector.broadcast %sub3A_104 : f32 to vector<16xf32>
    %sub3A_106 = arith.subf %add3A_103, %sub3A_105 : vector<16xf32>
    %max3A = arith.constant 0.000000e+00 : f32
    %max3A_107 = vector.broadcast %max3A : f32 to vector<16xf32>
    %max3A_108 = arith.maximumf %get3A_69, %max3A_107 : vector<16xf32>
    %add3A_109 = arith.addf %max3A_108, %sub3A_106 : vector<16xf32>
    %get3A_110 = arith.constant 0 : index
    %get3A_111 = tpu.vector_load %arg8[%get3A_110] {strides = array<i32>} : memref<32xf32, #tpu.memory_space<vmem>>, vector<16xf32>,
    %exp3A_112 = math.exp %get3A_111 : vector<16xf32>
    %add3A_113 = arith.constant 1.000000e+00 : f32
    %add3A_114 = vector.broadcast %add3A_113 : f32 to vector<16xf32>
    %add3A_115 = arith.addf %add3A_114, %exp3A_112 : vector<16xf32>
    %div3A_116 = arith.constant 1.000000e+00 : f32
    %div3A_117 = vector.broadcast %div3A_116 : f32 to vector<16xf32>
    %div3A_118 = arith.divf %div3A_117, %add3A_115 : vector<16xf32>
    %mul3A_119 = arith.mulf %add3A_109, %div3A_118 : vector<16xf32>
    %swap3A = arith.constant 0 : index
    %swap3A_120 = tpu.vector_load %arg9[%swap3A] {strides = array<i32>} : memref<32xf32, #tpu.memory_space<vmem>>, vector<16xf32>,
    tpu.vector_store %arg9[%swap3A], %mul3A_119 {strides = array<i32>} : memref<32xf32, #tpu.memory_space<vmem>>, vector<16xf32>,
    %get3A_121 = arith.constant 16 : index
    %get3A_122 = tpu.vector_load %arg7[%get3A_121] {strides = array<i32>} : memref<32xf32, #tpu.memory_space<vmem>>, vector<16xf32>,
    %abs3A_123 = math.absf %get3A_122 : vector<16xf32>
    %neg3A_124 = arith.constant 0.000000e+00 : f32
    %neg3A_125 = vector.broadcast %neg3A_124 : f32 to vector<16xf32>
    %neg3A_126 = arith.subf %neg3A_125, %abs3A_123 : vector<16xf32>
    %exp3A_127 = math.exp %neg3A_126 : vector<16xf32>
    %add3A_128 = arith.constant 1.000000e+00 : f32
    %add3A_129 = vector.broadcast %add3A_128 : f32 to vector<16xf32>
    %add3A_130 = arith.addf %add3A_129, %exp3A_127 : vector<16xf32>
    %mul3A_131 = arith.constant 2.000000e+00 : f32
    %mul3A_132 = vector.broadcast %mul3A_131 : f32 to vector<16xf32>
    %mul3A_133 = arith.mulf %mul3A_132, %exp3A_127 : vector<16xf32>
    %add3A_134 = arith.constant 2.000000e+00 : f32
    %add3A_135 = vector.broadcast %add3A_134 : f32 to vector<16xf32>
    %add3A_136 = arith.addf %add3A_135, %exp3A_127 : vector<16xf32>
    %div3A_137 = arith.divf %mul3A_133, %add3A_136 : vector<16xf32>
    %neg3A_138 = arith.constant 0.000000e+00 : f32
    %neg3A_139 = vector.broadcast %neg3A_138 : f32 to vector<16xf32>
    %neg3A_140 = arith.subf %neg3A_139, %div3A_137 : vector<16xf32>
    %exp3A_141 = math.exp %neg3A_140 : vector<16xf32>
    %mul3A_142 = arith.mulf %add3A_130, %exp3A_141 : vector<16xf32>
    %add3A_143 = arith.addf %div3A_137, %mul3A_142 : vector<16xf32>
    %sub3A_144 = arith.constant 1.000000e+00 : f32
    %sub3A_145 = vector.broadcast %sub3A_144 : f32 to vector<16xf32>
    %sub3A_146 = arith.subf %add3A_143, %sub3A_145 : vector<16xf32>
    %neg3A_147 = arith.constant 0.000000e+00 : f32
    %neg3A_148 = vector.broadcast %neg3A_147 : f32 to vector<16xf32>
    %neg3A_149 = arith.subf %neg3A_148, %sub3A_146 : vector<16xf32>
    %exp3A_150 = math.exp %neg3A_149 : vector<16xf32>
    %mul3A_151 = arith.mulf %add3A_130, %exp3A_150 : vector<16xf32>
    %add3A_152 = arith.addf %sub3A_146, %mul3A_151 : vector<16xf32>
    %sub3A_153 = arith.constant 1.000000e+00 : f32
    %sub3A_154 = vector.broadcast %sub3A_153 : f32 to vector<16xf32>
    %sub3A_155 = arith.subf %add3A_152, %sub3A_154 : vector<16xf32>
    %neg3A_156 = arith.constant 0.000000e+00 : f32
    %neg3A_157 = vector.broadcast %neg3A_156 : f32 to vector<16xf32>
    %neg3A_158 = arith.subf %neg3A_157, %sub3A_155 : vector<16xf32>
    %exp3A_159 = math.exp %neg3A_158 : vector<16xf32>
    %mul3A_160 = arith.mulf %add3A_130, %exp3A_159 : vector<16xf32>
    %add3A_161 = arith.addf %sub3A_155, %mul3A_160 : vector<16xf32>
    %sub3A_162 = arith.constant 1.000000e+00 : f32
    %sub3A_163 = vector.broadcast %sub3A_162 : f32 to vector<16xf32>
    %sub3A_164 = arith.subf %add3A_161, %sub3A_163 : vector<16xf32>
    %max3A_165 = arith.constant 0.000000e+00 : f32
    %max3A_166 = vector.broadcast %max3A_165 : f32 to vector<16xf32>
    %max3A_167 = arith.maximumf %get3A_122, %max3A_166 : vector<16xf32>
    %add3A_168 = arith.addf %max3A_167, %sub3A_164 : vector<16xf32>
    %get3A_169 = arith.constant 16 : index
    %get3A_170 = tpu.vector_load %arg8[%get3A_169] {strides = array<i32>} : memref<32xf32, #tpu.memory_space<vmem>>, vector<16xf32>,
    %exp3A_171 = math.exp %get3A_170 : vector<16xf32>
    %add3A_172 = arith.constant 1.000000e+00 : f32
    %add3A_173 = vector.broadcast %add3A_172 : f32 to vector<16xf32>
    %add3A_174 = arith.addf %add3A_173, %exp3A_171 : vector<16xf32>
    %div3A_175 = arith.constant 1.000000e+00 : f32
    %div3A_176 = vector.broadcast %div3A_175 : f32 to vector<16xf32>
    %div3A_177 = arith.divf %div3A_176, %add3A_174 : vector<16xf32>
    %mul3A_178 = arith.mulf %add3A_168, %div3A_177 : vector<16xf32>
    %swap3A_179 = arith.constant 16 : index
    %swap3A_180 = tpu.vector_load %arg9[%swap3A_179] {strides = array<i32>} : memref<32xf32, #tpu.memory_space<vmem>>, vector<16xf32>,
    tpu.vector_store %arg9[%swap3A_179], %mul3A_178 {strides = array<i32>} : memref<32xf32, #tpu.memory_space<vmem>>, vector<16xf32>,
    %dma_wait3A_181 = arith.constant 0 : i32
    %dma_wait3A_182 = arith.constant 0 : i32
    %dma_wait3A_183 = arith.constant 0 : i32
    %dma_wait3A_184 = tpu.memref_slice %arg10[%dma_wait3A_181, %dma_wait3A_182, %dma_wait3A_183] : memref<2x32x512xf32, #tpu.memory_space<vmem>> -> memref<1x8x512xf32, #tpu.memory_space<vmem>>
    %dma_wait3A_185 = tpu.memref_squeeze %dma_wait3A_184 : memref<1x8x512xf32, #tpu.memory_space<vmem>> -> memref<8x512xf32, #tpu.memory_space<vmem>>
    %dma_wait3A_186 = arith.constant 0 : i32
    %dma_wait3A_187 = tpu.memref_slice %arg2[%dma_wait3A_186, %mul3A_2] : memref<200x16384xf32, #tpu.memory_space<hbm>> -> memref<8x512xf32, #tpu.memory_space<hbm>>
    %dma_wait3A_188 = arith.constant 0 : i32
    %dma_wait3A_189 = arith.constant 0 : i32
    %dma_wait3A_190 = tpu.memref_slice %arg10[%dma_wait3A_181, %dma_wait3A_188, %dma_wait3A_189] : memref<2x32x512xf32, #tpu.memory_space<vmem>> -> memref<1x8x512xf32, #tpu.memory_space<vmem>>
    %dma_wait3A_191 = tpu.memref_squeeze %dma_wait3A_190 : memref<1x8x512xf32, #tpu.memory_space<vmem>> -> memref<8x512xf32, #tpu.memory_space<vmem>>
    %dma_wait3A_192 = arith.constant 0 : i32
    %dma_wait3A_193 = tpu.memref_slice %arg2[%dma_wait3A_192, %mul3A_2] : memref<200x16384xf32, #tpu.memory_space<hbm>> -> memref<8x512xf32, #tpu.memory_space<hbm>>
    tpu.wait_dma2 semaphore(%arg13 : memref<!tpu.dma_semaphore, #tpu.memory_space<semaphore_mem>>) src(%dma_wait3A_193 : memref<8x512xf32, #tpu.memory_space<hbm>>) dst(%dma_wait3A_191 : memref<8x512xf32, #tpu.memory_space<vmem>>)
    %dma_wait3A_194 = arith.constant 0 : i32
    %dma_wait3A_195 = arith.constant 0 : i32
    %dma_wait3A_196 = arith.constant 0 : i32
    %dma_wait3A_197 = tpu.memref_slice %arg11[%dma_wait3A_194, %dma_wait3A_195, %dma_wait3A_196] : memref<2x32x512xi32, #tpu.memory_space<vmem>> -> memref<1x8x512xi32, #tpu.memory_space<vmem>>
    %dma_wait3A_198 = tpu.memref_squeeze %dma_wait3A_197 : memref<1x8x512xi32, #tpu.memory_space<vmem>> -> memref<8x512xi32, #tpu.memory_space<vmem>>
    %dma_wait3A_199 = arith.constant 0 : i32
    %dma_wait3A_200 = tpu.memref_slice %arg3[%dma_wait3A_199, %mul3A_2] : memref<200x16384xi32, #tpu.memory_space<hbm>> -> memref<8x512xi32, #tpu.memory_space<hbm>>
    %dma_wait3A_201 = arith.constant 0 : i32
    %dma_wait3A_202 = arith.constant 0 : i32
    %dma_wait3A_203 = tpu.memref_slice %arg11[%dma_wait3A_194, %dma_wait3A_201, %dma_wait3A_202] : memref<2x32x512xi32, #tpu.memory_space<vmem>> -> memref<1x8x512xi32, #tpu.memory_space<vmem>>
    %dma_wait3A_204 = tpu.memref_squeeze %dma_wait3A_203 : memref<1x8x512xi32, #tpu.memory_space<vmem>> -> memref<8x512xi32, #tpu.memory_space<vmem>>
    %dma_wait3A_205 = arith.constant 0 : i32
    %dma_wait3A_206 = tpu.memref_slice %arg3[%dma_wait3A_205, %mul3A_2] : memref<200x16384xi32, #tpu.memory_space<hbm>> -> memref<8x512xi32, #tpu.memory_space<hbm>>
    tpu.wait_dma2 semaphore(%arg15 : memref<!tpu.dma_semaphore, #tpu.memory_space<semaphore_mem>>) src(%dma_wait3A_206 : memref<8x512xi32, #tpu.memory_space<hbm>>) dst(%dma_wait3A_204 : memref<8x512xi32, #tpu.memory_space<vmem>>)
    %parallel_loop3A = arith.constant 0 : i32
    %parallel_loop3A_207 = arith.constant 8 : i32
    %parallel_loop3A_208 = arith.constant 1 : i32
    scf.for %parallel_loop3A_253 = %parallel_loop3A to %parallel_loop3A_207 step %parallel_loop3A_208  : i32 {
      %parallel_loop3A_254 = arith.constant 0 : i32
      %parallel_loop3A_255 = arith.constant 512 : i32
      %parallel_loop3A_256 = arith.constant 16 : i32
      scf.for %parallel_loop3A_257 = %parallel_loop3A_254 to %parallel_loop3A_255 step %parallel_loop3A_256  : i32 {
        %parallel_loop3A_258 = arith.constant 0 : i32
        %parallel_loop3A_259 = arith.index_cast %parallel_loop3A_258 : i32 to index
        %parallel_loop3A_260 = arith.index_cast %parallel_loop3A_253 : i32 to index
        %parallel_loop3A_261 = arith.index_cast %parallel_loop3A_257 : i32 to index
        %parallel_loop3A_262 = tpu.vector_load %arg11[%parallel_loop3A_259, %parallel_loop3A_260, %parallel_loop3A_261] {strides = array<i32>} : memref<2x32x512xi32, #tpu.memory_space<vmem>>, vector<16xi32>,
        %parallel_loop3A_263 = tpu.vector_load_idx %arg9[%parallel_loop3A_262] : memref<32xf32, #tpu.memory_space<vmem>>[vector<16xi32>], vector<16xf32>,
        %parallel_loop3A_264 = arith.constant 0 : i32
        %parallel_loop3A_265 = arith.index_cast %parallel_loop3A_264 : i32 to index
        %parallel_loop3A_266 = arith.index_cast %parallel_loop3A_253 : i32 to index
        %parallel_loop3A_267 = arith.index_cast %parallel_loop3A_257 : i32 to index
        %parallel_loop3A_268 = tpu.vector_load %arg10[%parallel_loop3A_265, %parallel_loop3A_266, %parallel_loop3A_267] {strides = array<i32>} : memref<2x32x512xf32, #tpu.memory_space<vmem>>, vector<16xf32>,
        %parallel_loop3A_269 = arith.mulf %parallel_loop3A_268, %parallel_loop3A_263 : vector<16xf32>
        %parallel_loop3A_270 = arith.constant 0 : i32
        %parallel_loop3A_271 = arith.index_cast %parallel_loop3A_270 : i32 to index
        %parallel_loop3A_272 = arith.index_cast %parallel_loop3A_253 : i32 to index
        %parallel_loop3A_273 = arith.index_cast %parallel_loop3A_257 : i32 to index
        %parallel_loop3A_274 = tpu.vector_load %arg12[%parallel_loop3A_271, %parallel_loop3A_272, %parallel_loop3A_273] {strides = array<i32>} : memref<2x32x512xf32, #tpu.memory_space<vmem>>, vector<16xf32>,
        tpu.vector_store %arg12[%parallel_loop3A_271, %parallel_loop3A_272, %parallel_loop3A_273], %parallel_loop3A_269 {strides = array<i32>} : memref<2x32x512xf32, #tpu.memory_space<vmem>>, vector<16xf32>,
      } {sc.loop_unroll_factor = 4 : i64, sc.parallel_access}
    } {sc.loop_unroll_factor = 2 : i64, sc.parallel_access}
    %dma_start3A_209 = arith.constant 0 : i32
    %dma_start3A_210 = arith.constant 0 : i32
    %dma_start3A_211 = arith.constant 0 : i32
    %dma_start3A_212 = tpu.memref_slice %arg12[%dma_start3A_209, %dma_start3A_210, %dma_start3A_211] : memref<2x32x512xf32, #tpu.memory_space<vmem>> -> memref<1x8x512xf32, #tpu.memory_space<vmem>>
    %dma_start3A_213 = tpu.memref_squeeze %dma_start3A_212 : memref<1x8x512xf32, #tpu.memory_space<vmem>> -> memref<8x512xf32, #tpu.memory_space<vmem>>
    %dma_start3A_214 = arith.constant 0 : i32
    %dma_start3A_215 = tpu.memref_slice %arg6[%dma_start3A_214, %mul3A_2] : memref<200x16384xf32, #tpu.memory_space<hbm>> -> memref<8x512xf32, #tpu.memory_space<hbm>>
    %dma_start3A_216 = arith.constant 0 : i32
    %dma_start3A_217 = tpu.memref_slice %arg6[%dma_start3A_216, %mul3A_2] : memref<200x16384xf32, #tpu.memory_space<hbm>> -> memref<8x512xf32, #tpu.memory_space<hbm>>
    %dma_start3A_218 = arith.constant 0 : i32
    %dma_start3A_219 = arith.constant 0 : i32
    %dma_start3A_220 = tpu.memref_slice %arg12[%dma_start3A_209, %dma_start3A_218, %dma_start3A_219] : memref<2x32x512xf32, #tpu.memory_space<vmem>> -> memref<1x8x512xf32, #tpu.memory_space<vmem>>
    %dma_start3A_221 = tpu.memref_squeeze %dma_start3A_220 : memref<1x8x512xf32, #tpu.memory_space<vmem>> -> memref<8x512xf32, #tpu.memory_space<vmem>>
    tpu.enqueue_dma source(%dma_start3A_221 : memref<8x512xf32, #tpu.memory_space<vmem>>) target(%dma_start3A_217 : memref<8x512xf32, #tpu.memory_space<hbm>>) target_semaphore(%arg19 : memref<!tpu.dma_semaphore, #tpu.memory_space<semaphore_mem>>)
    %scan3A = arith.constant 0 : i32
    %scan3A_222 = arith.constant 0 : i32
    %scan3A_223 = arith.constant 3 : i32
    %scan3A_224 = arith.addi %scan3A_222, %scan3A_223 : i32
    %scan3A_225 = arith.constant 1 : i32
    scf.for %scan3A_253 = %scan3A_222 to %scan3A_224 step %scan3A_225  : i32 {
      %mul3A_254 = arith.constant 2 : i32
      %mul3A_255 = arith.muli %mul3A_254, %scan3A_253 : i32
      %mul3A_256 = arith.constant 32 : i32
      %mul3A_257 = arith.muli %mul3A_255, %mul3A_256 : i32
      %add3A_258 = arith.constant 8 : i32
      %add3A_259 = arith.addi %add3A_258, %mul3A_257 : i32
      %add3A_260 = arith.constant 32 : i32
      %add3A_261 = arith.addi %add3A_259, %add3A_260 : i32
      %dma_start3A_262 = arith.constant 0 : i32
      %dma_start3A_263 = arith.constant 0 : i32
      %dma_start3A_264 = arith.constant 0 : i32
      %dma_start3A_265 = tpu.memref_slice %arg10[%dma_start3A_262, %dma_start3A_263, %dma_start3A_264] : memref<2x32x512xf32, #tpu.memory_space<vmem>> -> memref<1x32x512xf32, #tpu.memory_space<vmem>>
      %dma_start3A_266 = tpu.memref_squeeze %dma_start3A_265 : memref<1x32x512xf32, #tpu.memory_space<vmem>> -> memref<32x512xf32, #tpu.memory_space<vmem>>
      %dma_start3A_267 = tpu.memref_slice %arg2[%add3A_261, %mul3A_2] : memref<200x16384xf32, #tpu.memory_space<hbm>> -> memref<32x512xf32, #tpu.memory_space<hbm>>
      %dma_start3A_268 = arith.constant 0 : i32
      %dma_start3A_269 = arith.constant 0 : i32
      %dma_start3A_270 = tpu.memref_slice %arg10[%dma_start3A_262, %dma_start3A_268, %dma_start3A_269] : memref<2x32x512xf32, #tpu.memory_space<vmem>> -> memref<1x32x512xf32, #tpu.memory_space<vmem>>
      %dma_start3A_271 = tpu.memref_squeeze %dma_start3A_270 : memref<1x32x512xf32, #tpu.memory_space<vmem>> -> memref<32x512xf32, #tpu.memory_space<vmem>>
      %dma_start3A_272 = tpu.memref_slice %arg2[%add3A_261, %mul3A_2] : memref<200x16384xf32, #tpu.memory_space<hbm>> -> memref<32x512xf32, #tpu.memory_space<hbm>>
      tpu.enqueue_dma source(%dma_start3A_272 : memref<32x512xf32, #tpu.memory_space<hbm>>) target(%dma_start3A_271 : memref<32x512xf32, #tpu.memory_space<vmem>>) target_semaphore(%arg13 : memref<!tpu.dma_semaphore, #tpu.memory_space<semaphore_mem>>)
      %dma_start3A_273 = arith.constant 0 : i32
      %dma_start3A_274 = arith.constant 0 : i32
      %dma_start3A_275 = arith.constant 0 : i32
      %dma_start3A_276 = tpu.memref_slice %arg11[%dma_start3A_273, %dma_start3A_274, %dma_start3A_275] : memref<2x32x512xi32, #tpu.memory_space<vmem>> -> memref<1x32x512xi32, #tpu.memory_space<vmem>>
      %dma_start3A_277 = tpu.memref_squeeze %dma_start3A_276 : memref<1x32x512xi32, #tpu.memory_space<vmem>> -> memref<32x512xi32, #tpu.memory_space<vmem>>
      %dma_start3A_278 = tpu.memref_slice %arg3[%add3A_261, %mul3A_2] : memref<200x16384xi32, #tpu.memory_space<hbm>> -> memref<32x512xi32, #tpu.memory_space<hbm>>
      %dma_start3A_279 = arith.constant 0 : i32
      %dma_start3A_280 = arith.constant 0 : i32
      %dma_start3A_281 = tpu.memref_slice %arg11[%dma_start3A_273, %dma_start3A_279, %dma_start3A_280] : memref<2x32x512xi32, #tpu.memory_space<vmem>> -> memref<1x32x512xi32, #tpu.memory_space<vmem>>
      %dma_start3A_282 = tpu.memref_squeeze %dma_start3A_281 : memref<1x32x512xi32, #tpu.memory_space<vmem>> -> memref<32x512xi32, #tpu.memory_space<vmem>>
      %dma_start3A_283 = tpu.memref_slice %arg3[%add3A_261, %mul3A_2] : memref<200x16384xi32, #tpu.memory_space<hbm>> -> memref<32x512xi32, #tpu.memory_space<hbm>>
      tpu.enqueue_dma source(%dma_start3A_283 : memref<32x512xi32, #tpu.memory_space<hbm>>) target(%dma_start3A_282 : memref<32x512xi32, #tpu.memory_space<vmem>>) target_semaphore(%arg15 : memref<!tpu.dma_semaphore, #tpu.memory_space<semaphore_mem>>)
      %dma_wait3A_284 = arith.constant 1 : i32
      %dma_wait3A_285 = arith.constant 0 : i32
      %dma_wait3A_286 = arith.constant 0 : i32
      %dma_wait3A_287 = tpu.memref_slice %arg10[%dma_wait3A_284, %dma_wait3A_285, %dma_wait3A_286] : memref<2x32x512xf32, #tpu.memory_space<vmem>> -> memref<1x32x512xf32, #tpu.memory_space<vmem>>
      %dma_wait3A_288 = tpu.memref_squeeze %dma_wait3A_287 : memref<1x32x512xf32, #tpu.memory_space<vmem>> -> memref<32x512xf32, #tpu.memory_space<vmem>>
      %dma_wait3A_289 = tpu.memref_slice %arg2[%add3A_259, %mul3A_2] : memref<200x16384xf32, #tpu.memory_space<hbm>> -> memref<32x512xf32, #tpu.memory_space<hbm>>
      %dma_wait3A_290 = arith.constant 0 : i32
      %dma_wait3A_291 = arith.constant 0 : i32
      %dma_wait3A_292 = tpu.memref_slice %arg10[%dma_wait3A_284, %dma_wait3A_290, %dma_wait3A_291] : memref<2x32x512xf32, #tpu.memory_space<vmem>> -> memref<1x32x512xf32, #tpu.memory_space<vmem>>
      %dma_wait3A_293 = tpu.memref_squeeze %dma_wait3A_292 : memref<1x32x512xf32, #tpu.memory_space<vmem>> -> memref<32x512xf32, #tpu.memory_space<vmem>>
      %dma_wait3A_294 = tpu.memref_slice %arg2[%add3A_259, %mul3A_2] : memref<200x16384xf32, #tpu.memory_space<hbm>> -> memref<32x512xf32, #tpu.memory_space<hbm>>
      tpu.wait_dma2 semaphore(%arg14 : memref<!tpu.dma_semaphore, #tpu.memory_space<semaphore_mem>>) src(%dma_wait3A_294 : memref<32x512xf32, #tpu.memory_space<hbm>>) dst(%dma_wait3A_293 : memref<32x512xf32, #tpu.memory_space<vmem>>)
      %dma_wait3A_295 = arith.constant 1 : i32
      %dma_wait3A_296 = arith.constant 0 : i32
      %dma_wait3A_297 = arith.constant 0 : i32
      %dma_wait3A_298 = tpu.memref_slice %arg11[%dma_wait3A_295, %dma_wait3A_296, %dma_wait3A_297] : memref<2x32x512xi32, #tpu.memory_space<vmem>> -> memref<1x32x512xi32, #tpu.memory_space<vmem>>
      %dma_wait3A_299 = tpu.memref_squeeze %dma_wait3A_298 : memref<1x32x512xi32, #tpu.memory_space<vmem>> -> memref<32x512xi32, #tpu.memory_space<vmem>>
      %dma_wait3A_300 = tpu.memref_slice %arg3[%add3A_259, %mul3A_2] : memref<200x16384xi32, #tpu.memory_space<hbm>> -> memref<32x512xi32, #tpu.memory_space<hbm>>
      %dma_wait3A_301 = arith.constant 0 : i32
      %dma_wait3A_302 = arith.constant 0 : i32
      %dma_wait3A_303 = tpu.memref_slice %arg11[%dma_wait3A_295, %dma_wait3A_301, %dma_wait3A_302] : memref<2x32x512xi32, #tpu.memory_space<vmem>> -> memref<1x32x512xi32, #tpu.memory_space<vmem>>
      %dma_wait3A_304 = tpu.memref_squeeze %dma_wait3A_303 : memref<1x32x512xi32, #tpu.memory_space<vmem>> -> memref<32x512xi32, #tpu.memory_space<vmem>>
      %dma_wait3A_305 = tpu.memref_slice %arg3[%add3A_259, %mul3A_2] : memref<200x16384xi32, #tpu.memory_space<hbm>> -> memref<32x512xi32, #tpu.memory_space<hbm>>
      tpu.wait_dma2 semaphore(%arg16 : memref<!tpu.dma_semaphore, #tpu.memory_space<semaphore_mem>>) src(%dma_wait3A_305 : memref<32x512xi32, #tpu.memory_space<hbm>>) dst(%dma_wait3A_304 : memref<32x512xi32, #tpu.memory_space<vmem>>)
      %gt3A = arith.constant 0 : i32
      %gt3A_306 = arith.cmpi sgt, %scan3A_253, %gt3A : i32
      %convert_element_type3A = arith.extui %gt3A_306 : i1 to i32
      %cond3A = arith.constant 0 : i32
      %cond3A_307 = arith.cmpi ne, %convert_element_type3A, %cond3A : i32
      scf.if %cond3A_307 {
        %sub3A_371 = arith.constant 64 : i32
        %sub3A_372 = arith.subi %add3A_259, %sub3A_371 : i32
        %dma_wait3A_373 = arith.constant 1 : i32
        %dma_wait3A_374 = arith.constant 0 : i32
        %dma_wait3A_375 = arith.constant 0 : i32
        %dma_wait3A_376 = tpu.memref_slice %arg12[%dma_wait3A_373, %dma_wait3A_374, %dma_wait3A_375] : memref<2x32x512xf32, #tpu.memory_space<vmem>> -> memref<1x32x512xf32, #tpu.memory_space<vmem>>
        %dma_wait3A_377 = tpu.memref_squeeze %dma_wait3A_376 : memref<1x32x512xf32, #tpu.memory_space<vmem>> -> memref<32x512xf32, #tpu.memory_space<vmem>>
        %dma_wait3A_378 = tpu.memref_slice %arg6[%sub3A_372, %mul3A_2] : memref<200x16384xf32, #tpu.memory_space<hbm>> -> memref<32x512xf32, #tpu.memory_space<hbm>>
        %dma_wait3A_379 = tpu.memref_slice %arg6[%sub3A_372, %mul3A_2] : memref<200x16384xf32, #tpu.memory_space<hbm>> -> memref<32x512xf32, #tpu.memory_space<hbm>>
        %dma_wait3A_380 = arith.constant 0 : i32
        %dma_wait3A_381 = arith.constant 0 : i32
        %dma_wait3A_382 = tpu.memref_slice %arg12[%dma_wait3A_373, %dma_wait3A_380, %dma_wait3A_381] : memref<2x32x512xf32, #tpu.memory_space<vmem>> -> memref<1x32x512xf32, #tpu.memory_space<vmem>>
        %dma_wait3A_383 = tpu.memref_squeeze %dma_wait3A_382 : memref<1x32x512xf32, #tpu.memory_space<vmem>> -> memref<32x512xf32, #tpu.memory_space<vmem>>
        tpu.wait_dma2 semaphore(%arg18 : memref<!tpu.dma_semaphore, #tpu.memory_space<semaphore_mem>>) src(%dma_wait3A_383 : memref<32x512xf32, #tpu.memory_space<vmem>>) dst(%dma_wait3A_379 : memref<32x512xf32, #tpu.memory_space<hbm>>)
      } else {
      }
      %parallel_loop3A_308 = arith.constant 0 : i32
      %parallel_loop3A_309 = arith.constant 32 : i32
      %parallel_loop3A_310 = arith.constant 1 : i32
      scf.for %parallel_loop3A_371 = %parallel_loop3A_308 to %parallel_loop3A_309 step %parallel_loop3A_310  : i32 {
        %parallel_loop3A_372 = arith.constant 0 : i32
        %parallel_loop3A_373 = arith.constant 512 : i32
        %parallel_loop3A_374 = arith.constant 16 : i32
        scf.for %parallel_loop3A_375 = %parallel_loop3A_372 to %parallel_loop3A_373 step %parallel_loop3A_374  : i32 {
          %parallel_loop3A_376 = arith.constant 1 : i32
          %parallel_loop3A_377 = arith.index_cast %parallel_loop3A_376 : i32 to index
          %parallel_loop3A_378 = arith.index_cast %parallel_loop3A_371 : i32 to index
          %parallel_loop3A_379 = arith.index_cast %parallel_loop3A_375 : i32 to index
          %parallel_loop3A_380 = tpu.vector_load %arg11[%parallel_loop3A_377, %parallel_loop3A_378, %parallel_loop3A_379] {strides = array<i32>} : memref<2x32x512xi32, #tpu.memory_space<vmem>>, vector<16xi32>,
          %parallel_loop3A_381 = tpu.vector_load_idx %arg9[%parallel_loop3A_380] : memref<32xf32, #tpu.memory_space<vmem>>[vector<16xi32>], vector<16xf32>,
          %parallel_loop3A_382 = arith.constant 1 : i32
          %parallel_loop3A_383 = arith.index_cast %parallel_loop3A_382 : i32 to index
          %parallel_loop3A_384 = arith.index_cast %parallel_loop3A_371 : i32 to index
          %parallel_loop3A_385 = arith.index_cast %parallel_loop3A_375 : i32 to index
          %parallel_loop3A_386 = tpu.vector_load %arg10[%parallel_loop3A_383, %parallel_loop3A_384, %parallel_loop3A_385] {strides = array<i32>} : memref<2x32x512xf32, #tpu.memory_space<vmem>>, vector<16xf32>,
          %parallel_loop3A_387 = arith.mulf %parallel_loop3A_386, %parallel_loop3A_381 : vector<16xf32>
          %parallel_loop3A_388 = arith.constant 1 : i32
          %parallel_loop3A_389 = arith.index_cast %parallel_loop3A_388 : i32 to index
          %parallel_loop3A_390 = arith.index_cast %parallel_loop3A_371 : i32 to index
          %parallel_loop3A_391 = arith.index_cast %parallel_loop3A_375 : i32 to index
          %parallel_loop3A_392 = tpu.vector_load %arg12[%parallel_loop3A_389, %parallel_loop3A_390, %parallel_loop3A_391] {strides = array<i32>} : memref<2x32x512xf32, #tpu.memory_space<vmem>>, vector<16xf32>,
          tpu.vector_store %arg12[%parallel_loop3A_389, %parallel_loop3A_390, %parallel_loop3A_391], %parallel_loop3A_387 {strides = array<i32>} : memref<2x32x512xf32, #tpu.memory_space<vmem>>, vector<16xf32>,
        } {sc.loop_unroll_factor = 4 : i64, sc.parallel_access}
      } {sc.loop_unroll_factor = 2 : i64, sc.parallel_access}
      %dma_start3A_311 = arith.constant 1 : i32
      %dma_start3A_312 = arith.constant 0 : i32
      %dma_start3A_313 = arith.constant 0 : i32
      %dma_start3A_314 = tpu.memref_slice %arg12[%dma_start3A_311, %dma_start3A_312, %dma_start3A_313] : memref<2x32x512xf32, #tpu.memory_space<vmem>> -> memref<1x32x512xf32, #tpu.memory_space<vmem>>
      %dma_start3A_315 = tpu.memref_squeeze %dma_start3A_314 : memref<1x32x512xf32, #tpu.memory_space<vmem>> -> memref<32x512xf32, #tpu.memory_space<vmem>>
      %dma_start3A_316 = tpu.memref_slice %arg6[%add3A_259, %mul3A_2] : memref<200x16384xf32, #tpu.memory_space<hbm>> -> memref<32x512xf32, #tpu.memory_space<hbm>>
      %dma_start3A_317 = tpu.memref_slice %arg6[%add3A_259, %mul3A_2] : memref<200x16384xf32, #tpu.memory_space<hbm>> -> memref<32x512xf32, #tpu.memory_space<hbm>>
      %dma_start3A_318 = arith.constant 0 : i32
      %dma_start3A_319 = arith.constant 0 : i32
      %dma_start3A_320 = tpu.memref_slice %arg12[%dma_start3A_311, %dma_start3A_318, %dma_start3A_319] : memref<2x32x512xf32, #tpu.memory_space<vmem>> -> memref<1x32x512xf32, #tpu.memory_space<vmem>>
      %dma_start3A_321 = tpu.memref_squeeze %dma_start3A_320 : memref<1x32x512xf32, #tpu.memory_space<vmem>> -> memref<32x512xf32, #tpu.memory_space<vmem>>
      tpu.enqueue_dma source(%dma_start3A_321 : memref<32x512xf32, #tpu.memory_space<vmem>>) target(%dma_start3A_317 : memref<32x512xf32, #tpu.memory_space<hbm>>) target_semaphore(%arg18 : memref<!tpu.dma_semaphore, #tpu.memory_space<semaphore_mem>>)
      %lt3A = arith.constant 2 : i32
      %lt3A_322 = arith.cmpi slt, %scan3A_253, %lt3A : i32
      %convert_element_type3A_323 = arith.extui %lt3A_322 : i1 to i32
      %cond3A_324 = arith.constant 0 : i32
      %cond3A_325 = arith.cmpi ne, %convert_element_type3A_323, %cond3A_324 : i32
      scf.if %cond3A_325 {
        %add3A_371 = arith.constant 32 : i32
        %add3A_372 = arith.addi %add3A_261, %add3A_371 : i32
        %dma_start3A_373 = arith.constant 1 : i32
        %dma_start3A_374 = arith.constant 0 : i32
        %dma_start3A_375 = arith.constant 0 : i32
        %dma_start3A_376 = tpu.memref_slice %arg10[%dma_start3A_373, %dma_start3A_374, %dma_start3A_375] : memref<2x32x512xf32, #tpu.memory_space<vmem>> -> memref<1x32x512xf32, #tpu.memory_space<vmem>>
        %dma_start3A_377 = tpu.memref_squeeze %dma_start3A_376 : memref<1x32x512xf32, #tpu.memory_space<vmem>> -> memref<32x512xf32, #tpu.memory_space<vmem>>
        %dma_start3A_378 = tpu.memref_slice %arg2[%add3A_372, %mul3A_2] : memref<200x16384xf32, #tpu.memory_space<hbm>> -> memref<32x512xf32, #tpu.memory_space<hbm>>
        %dma_start3A_379 = arith.constant 0 : i32
        %dma_start3A_380 = arith.constant 0 : i32
        %dma_start3A_381 = tpu.memref_slice %arg10[%dma_start3A_373, %dma_start3A_379, %dma_start3A_380] : memref<2x32x512xf32, #tpu.memory_space<vmem>> -> memref<1x32x512xf32, #tpu.memory_space<vmem>>
        %dma_start3A_382 = tpu.memref_squeeze %dma_start3A_381 : memref<1x32x512xf32, #tpu.memory_space<vmem>> -> memref<32x512xf32, #tpu.memory_space<vmem>>
        %dma_start3A_383 = tpu.memref_slice %arg2[%add3A_372, %mul3A_2] : memref<200x16384xf32, #tpu.memory_space<hbm>> -> memref<32x512xf32, #tpu.memory_space<hbm>>
        tpu.enqueue_dma source(%dma_start3A_383 : memref<32x512xf32, #tpu.memory_space<hbm>>) target(%dma_start3A_382 : memref<32x512xf32, #tpu.memory_space<vmem>>) target_semaphore(%arg14 : memref<!tpu.dma_semaphore, #tpu.memory_space<semaphore_mem>>)
        %dma_start3A_384 = arith.constant 1 : i32
        %dma_start3A_385 = arith.constant 0 : i32
        %dma_start3A_386 = arith.constant 0 : i32
        %dma_start3A_387 = tpu.memref_slice %arg11[%dma_start3A_384, %dma_start3A_385, %dma_start3A_386] : memref<2x32x512xi32, #tpu.memory_space<vmem>> -> memref<1x32x512xi32, #tpu.memory_space<vmem>>
        %dma_start3A_388 = tpu.memref_squeeze %dma_start3A_387 : memref<1x32x512xi32, #tpu.memory_space<vmem>> -> memref<32x512xi32, #tpu.memory_space<vmem>>
        %dma_start3A_389 = tpu.memref_slice %arg3[%add3A_372, %mul3A_2] : memref<200x16384xi32, #tpu.memory_space<hbm>> -> memref<32x512xi32, #tpu.memory_space<hbm>>
        %dma_start3A_390 = arith.constant 0 : i32
        %dma_start3A_391 = arith.constant 0 : i32
        %dma_start3A_392 = tpu.memref_slice %arg11[%dma_start3A_384, %dma_start3A_390, %dma_start3A_391] : memref<2x32x512xi32, #tpu.memory_space<vmem>> -> memref<1x32x512xi32, #tpu.memory_space<vmem>>
        %dma_start3A_393 = tpu.memref_squeeze %dma_start3A_392 : memref<1x32x512xi32, #tpu.memory_space<vmem>> -> memref<32x512xi32, #tpu.memory_space<vmem>>
        %dma_start3A_394 = tpu.memref_slice %arg3[%add3A_372, %mul3A_2] : memref<200x16384xi32, #tpu.memory_space<hbm>> -> memref<32x512xi32, #tpu.memory_space<hbm>>
        tpu.enqueue_dma source(%dma_start3A_394 : memref<32x512xi32, #tpu.memory_space<hbm>>) target(%dma_start3A_393 : memref<32x512xi32, #tpu.memory_space<vmem>>) target_semaphore(%arg16 : memref<!tpu.dma_semaphore, #tpu.memory_space<semaphore_mem>>)
      } else {
      }
      %dma_wait3A_326 = arith.constant 0 : i32
      %dma_wait3A_327 = arith.constant 0 : i32
      %dma_wait3A_328 = arith.constant 0 : i32
      %dma_wait3A_329 = tpu.memref_slice %arg10[%dma_wait3A_326, %dma_wait3A_327, %dma_wait3A_328] : memref<2x32x512xf32, #tpu.memory_space<vmem>> -> memref<1x32x512xf32, #tpu.memory_space<vmem>>
      %dma_wait3A_330 = tpu.memref_squeeze %dma_wait3A_329 : memref<1x32x512xf32, #tpu.memory_space<vmem>> -> memref<32x512xf32, #tpu.memory_space<vmem>>
      %dma_wait3A_331 = tpu.memref_slice %arg2[%add3A_261, %mul3A_2] : memref<200x16384xf32, #tpu.memory_space<hbm>> -> memref<32x512xf32, #tpu.memory_space<hbm>>
      %dma_wait3A_332 = arith.constant 0 : i32
      %dma_wait3A_333 = arith.constant 0 : i32
      %dma_wait3A_334 = tpu.memref_slice %arg10[%dma_wait3A_326, %dma_wait3A_332, %dma_wait3A_333] : memref<2x32x512xf32, #tpu.memory_space<vmem>> -> memref<1x32x512xf32, #tpu.memory_space<vmem>>
      %dma_wait3A_335 = tpu.memref_squeeze %dma_wait3A_334 : memref<1x32x512xf32, #tpu.memory_space<vmem>> -> memref<32x512xf32, #tpu.memory_space<vmem>>
      %dma_wait3A_336 = tpu.memref_slice %arg2[%add3A_261, %mul3A_2] : memref<200x16384xf32, #tpu.memory_space<hbm>> -> memref<32x512xf32, #tpu.memory_space<hbm>>
      tpu.wait_dma2 semaphore(%arg13 : memref<!tpu.dma_semaphore, #tpu.memory_space<semaphore_mem>>) src(%dma_wait3A_336 : memref<32x512xf32, #tpu.memory_space<hbm>>) dst(%dma_wait3A_335 : memref<32x512xf32, #tpu.memory_space<vmem>>)
      %dma_wait3A_337 = arith.constant 0 : i32
      %dma_wait3A_338 = arith.constant 0 : i32
      %dma_wait3A_339 = arith.constant 0 : i32
      %dma_wait3A_340 = tpu.memref_slice %arg11[%dma_wait3A_337, %dma_wait3A_338, %dma_wait3A_339] : memref<2x32x512xi32, #tpu.memory_space<vmem>> -> memref<1x32x512xi32, #tpu.memory_space<vmem>>
      %dma_wait3A_341 = tpu.memref_squeeze %dma_wait3A_340 : memref<1x32x512xi32, #tpu.memory_space<vmem>> -> memref<32x512xi32, #tpu.memory_space<vmem>>
      %dma_wait3A_342 = tpu.memref_slice %arg3[%add3A_261, %mul3A_2] : memref<200x16384xi32, #tpu.memory_space<hbm>> -> memref<32x512xi32, #tpu.memory_space<hbm>>
      %dma_wait3A_343 = arith.constant 0 : i32
      %dma_wait3A_344 = arith.constant 0 : i32
      %dma_wait3A_345 = tpu.memref_slice %arg11[%dma_wait3A_337, %dma_wait3A_343, %dma_wait3A_344] : memref<2x32x512xi32, #tpu.memory_space<vmem>> -> memref<1x32x512xi32, #tpu.memory_space<vmem>>
      %dma_wait3A_346 = tpu.memref_squeeze %dma_wait3A_345 : memref<1x32x512xi32, #tpu.memory_space<vmem>> -> memref<32x512xi32, #tpu.memory_space<vmem>>
      %dma_wait3A_347 = tpu.memref_slice %arg3[%add3A_261, %mul3A_2] : memref<200x16384xi32, #tpu.memory_space<hbm>> -> memref<32x512xi32, #tpu.memory_space<hbm>>
      tpu.wait_dma2 semaphore(%arg15 : memref<!tpu.dma_semaphore, #tpu.memory_space<semaphore_mem>>) src(%dma_wait3A_347 : memref<32x512xi32, #tpu.memory_space<hbm>>) dst(%dma_wait3A_346 : memref<32x512xi32, #tpu.memory_space<vmem>>)
      %eq3A = arith.constant 0 : i32
      %eq3A_348 = arith.cmpi eq, %scan3A_253, %eq3A : i32
      %convert_element_type3A_349 = arith.extui %eq3A_348 : i1 to i32
      %cond3A_350 = arith.constant 0 : i32
      %cond3A_351 = arith.cmpi ne, %convert_element_type3A_349, %cond3A_350 : i32
      scf.if %cond3A_351 {
        %dma_wait3A_371 = arith.constant 0 : i32
        %dma_wait3A_372 = arith.constant 0 : i32
        %dma_wait3A_373 = arith.constant 0 : i32
        %dma_wait3A_374 = tpu.memref_slice %arg12[%dma_wait3A_371, %dma_wait3A_372, %dma_wait3A_373] : memref<2x32x512xf32, #tpu.memory_space<vmem>> -> memref<1x8x512xf32, #tpu.memory_space<vmem>>
        %dma_wait3A_375 = tpu.memref_squeeze %dma_wait3A_374 : memref<1x8x512xf32, #tpu.memory_space<vmem>> -> memref<8x512xf32, #tpu.memory_space<vmem>>
        %dma_wait3A_376 = arith.constant 0 : i32
        %dma_wait3A_377 = tpu.memref_slice %arg6[%dma_wait3A_376, %mul3A_2] : memref<200x16384xf32, #tpu.memory_space<hbm>> -> memref<8x512xf32, #tpu.memory_space<hbm>>
        %dma_wait3A_378 = arith.constant 0 : i32
        %dma_wait3A_379 = tpu.memref_slice %arg6[%dma_wait3A_378, %mul3A_2] : memref<200x16384xf32, #tpu.memory_space<hbm>> -> memref<8x512xf32, #tpu.memory_space<hbm>>
        %dma_wait3A_380 = arith.constant 0 : i32
        %dma_wait3A_381 = arith.constant 0 : i32
        %dma_wait3A_382 = tpu.memref_slice %arg12[%dma_wait3A_371, %dma_wait3A_380, %dma_wait3A_381] : memref<2x32x512xf32, #tpu.memory_space<vmem>> -> memref<1x8x512xf32, #tpu.memory_space<vmem>>
        %dma_wait3A_383 = tpu.memref_squeeze %dma_wait3A_382 : memref<1x8x512xf32, #tpu.memory_space<vmem>> -> memref<8x512xf32, #tpu.memory_space<vmem>>
        tpu.wait_dma2 semaphore(%arg19 : memref<!tpu.dma_semaphore, #tpu.memory_space<semaphore_mem>>) src(%dma_wait3A_383 : memref<8x512xf32, #tpu.memory_space<vmem>>) dst(%dma_wait3A_379 : memref<8x512xf32, #tpu.memory_space<hbm>>)
      } else {
      }
      %gt3A_352 = arith.constant 0 : i32
      %gt3A_353 = arith.cmpi sgt, %scan3A_253, %gt3A_352 : i32
      %convert_element_type3A_354 = arith.extui %gt3A_353 : i1 to i32
      %cond3A_355 = arith.constant 0 : i32
      %cond3A_356 = arith.cmpi ne, %convert_element_type3A_354, %cond3A_355 : i32
      scf.if %cond3A_356 {
        %sub3A_371 = arith.constant 64 : i32
        %sub3A_372 = arith.subi %add3A_261, %sub3A_371 : i32
        %dma_wait3A_373 = arith.constant 0 : i32
        %dma_wait3A_374 = arith.constant 0 : i32
        %dma_wait3A_375 = arith.constant 0 : i32
        %dma_wait3A_376 = tpu.memref_slice %arg12[%dma_wait3A_373, %dma_wait3A_374, %dma_wait3A_375] : memref<2x32x512xf32, #tpu.memory_space<vmem>> -> memref<1x32x512xf32, #tpu.memory_space<vmem>>
        %dma_wait3A_377 = tpu.memref_squeeze %dma_wait3A_376 : memref<1x32x512xf32, #tpu.memory_space<vmem>> -> memref<32x512xf32, #tpu.memory_space<vmem>>
        %dma_wait3A_378 = tpu.memref_slice %arg6[%sub3A_372, %mul3A_2] : memref<200x16384xf32, #tpu.memory_space<hbm>> -> memref<32x512xf32, #tpu.memory_space<hbm>>
        %dma_wait3A_379 = tpu.memref_slice %arg6[%sub3A_372, %mul3A_2] : memref<200x16384xf32, #tpu.memory_space<hbm>> -> memref<32x512xf32, #tpu.memory_space<hbm>>
        %dma_wait3A_380 = arith.constant 0 : i32
        %dma_wait3A_381 = arith.constant 0 : i32
        %dma_wait3A_382 = tpu.memref_slice %arg12[%dma_wait3A_373, %dma_wait3A_380, %dma_wait3A_381] : memref<2x32x512xf32, #tpu.memory_space<vmem>> -> memref<1x32x512xf32, #tpu.memory_space<vmem>>
        %dma_wait3A_383 = tpu.memref_squeeze %dma_wait3A_382 : memref<1x32x512xf32, #tpu.memory_space<vmem>> -> memref<32x512xf32, #tpu.memory_space<vmem>>
        tpu.wait_dma2 semaphore(%arg17 : memref<!tpu.dma_semaphore, #tpu.memory_space<semaphore_mem>>) src(%dma_wait3A_383 : memref<32x512xf32, #tpu.memory_space<vmem>>) dst(%dma_wait3A_379 : memref<32x512xf32, #tpu.memory_space<hbm>>)
      } else {
      }
      %parallel_loop3A_357 = arith.constant 0 : i32
      %parallel_loop3A_358 = arith.constant 32 : i32
      %parallel_loop3A_359 = arith.constant 1 : i32
      scf.for %parallel_loop3A_371 = %parallel_loop3A_357 to %parallel_loop3A_358 step %parallel_loop3A_359  : i32 {
        %parallel_loop3A_372 = arith.constant 0 : i32
        %parallel_loop3A_373 = arith.constant 512 : i32
        %parallel_loop3A_374 = arith.constant 16 : i32
        scf.for %parallel_loop3A_375 = %parallel_loop3A_372 to %parallel_loop3A_373 step %parallel_loop3A_374  : i32 {
          %parallel_loop3A_376 = arith.constant 0 : i32
          %parallel_loop3A_377 = arith.index_cast %parallel_loop3A_376 : i32 to index
          %parallel_loop3A_378 = arith.index_cast %parallel_loop3A_371 : i32 to index
          %parallel_loop3A_379 = arith.index_cast %parallel_loop3A_375 : i32 to index
          %parallel_loop3A_380 = tpu.vector_load %arg11[%parallel_loop3A_377, %parallel_loop3A_378, %parallel_loop3A_379] {strides = array<i32>} : memref<2x32x512xi32, #tpu.memory_space<vmem>>, vector<16xi32>,
          %parallel_loop3A_381 = tpu.vector_load_idx %arg9[%parallel_loop3A_380] : memref<32xf32, #tpu.memory_space<vmem>>[vector<16xi32>], vector<16xf32>,
          %parallel_loop3A_382 = arith.constant 0 : i32
          %parallel_loop3A_383 = arith.index_cast %parallel_loop3A_382 : i32 to index
          %parallel_loop3A_384 = arith.index_cast %parallel_loop3A_371 : i32 to index
          %parallel_loop3A_385 = arith.index_cast %parallel_loop3A_375 : i32 to index
          %parallel_loop3A_386 = tpu.vector_load %arg10[%parallel_loop3A_383, %parallel_loop3A_384, %parallel_loop3A_385] {strides = array<i32>} : memref<2x32x512xf32, #tpu.memory_space<vmem>>, vector<16xf32>,
          %parallel_loop3A_387 = arith.mulf %parallel_loop3A_386, %parallel_loop3A_381 : vector<16xf32>
          %parallel_loop3A_388 = arith.constant 0 : i32
          %parallel_loop3A_389 = arith.index_cast %parallel_loop3A_388 : i32 to index
          %parallel_loop3A_390 = arith.index_cast %parallel_loop3A_371 : i32 to index
          %parallel_loop3A_391 = arith.index_cast %parallel_loop3A_375 : i32 to index
          %parallel_loop3A_392 = tpu.vector_load %arg12[%parallel_loop3A_389, %parallel_loop3A_390, %parallel_loop3A_391] {strides = array<i32>} : memref<2x32x512xf32, #tpu.memory_space<vmem>>, vector<16xf32>,
          tpu.vector_store %arg12[%parallel_loop3A_389, %parallel_loop3A_390, %parallel_loop3A_391], %parallel_loop3A_387 {strides = array<i32>} : memref<2x32x512xf32, #tpu.memory_space<vmem>>, vector<16xf32>,
        } {sc.loop_unroll_factor = 4 : i64, sc.parallel_access}
      } {sc.loop_unroll_factor = 2 : i64, sc.parallel_access}
      %dma_start3A_360 = arith.constant 0 : i32
      %dma_start3A_361 = arith.constant 0 : i32
      %dma_start3A_362 = arith.constant 0 : i32
      %dma_start3A_363 = tpu.memref_slice %arg12[%dma_start3A_360, %dma_start3A_361, %dma_start3A_362] : memref<2x32x512xf32, #tpu.memory_space<vmem>> -> memref<1x32x512xf32, #tpu.memory_space<vmem>>
      %dma_start3A_364 = tpu.memref_squeeze %dma_start3A_363 : memref<1x32x512xf32, #tpu.memory_space<vmem>> -> memref<32x512xf32, #tpu.memory_space<vmem>>
      %dma_start3A_365 = tpu.memref_slice %arg6[%add3A_261, %mul3A_2] : memref<200x16384xf32, #tpu.memory_space<hbm>> -> memref<32x512xf32, #tpu.memory_space<hbm>>
      %dma_start3A_366 = tpu.memref_slice %arg6[%add3A_261, %mul3A_2] : memref<200x16384xf32, #tpu.memory_space<hbm>> -> memref<32x512xf32, #tpu.memory_space<hbm>>
      %dma_start3A_367 = arith.constant 0 : i32
      %dma_start3A_368 = arith.constant 0 : i32
      %dma_start3A_369 = tpu.memref_slice %arg12[%dma_start3A_360, %dma_start3A_367, %dma_start3A_368] : memref<2x32x512xf32, #tpu.memory_space<vmem>> -> memref<1x32x512xf32, #tpu.memory_space<vmem>>
      %dma_start3A_370 = tpu.memref_squeeze %dma_start3A_369 : memref<1x32x512xf32, #tpu.memory_space<vmem>> -> memref<32x512xf32, #tpu.memory_space<vmem>>
      tpu.enqueue_dma source(%dma_start3A_370 : memref<32x512xf32, #tpu.memory_space<vmem>>) target(%dma_start3A_366 : memref<32x512xf32, #tpu.memory_space<hbm>>) target_semaphore(%arg17 : memref<!tpu.dma_semaphore, #tpu.memory_space<semaphore_mem>>)
    }
    %scan3A_226 = arith.constant 3 : i32
    %dma_wait3A_227 = arith.constant 1 : i32
    %dma_wait3A_228 = arith.constant 0 : i32
    %dma_wait3A_229 = arith.constant 0 : i32
    %dma_wait3A_230 = tpu.memref_slice %arg12[%dma_wait3A_227, %dma_wait3A_228, %dma_wait3A_229] : memref<2x32x512xf32, #tpu.memory_space<vmem>> -> memref<1x32x512xf32, #tpu.memory_space<vmem>>
    %dma_wait3A_231 = tpu.memref_squeeze %dma_wait3A_230 : memref<1x32x512xf32, #tpu.memory_space<vmem>> -> memref<32x512xf32, #tpu.memory_space<vmem>>
    %dma_wait3A_232 = arith.constant 136 : i32
    %dma_wait3A_233 = tpu.memref_slice %arg6[%dma_wait3A_232, %mul3A_2] : memref<200x16384xf32, #tpu.memory_space<hbm>> -> memref<32x512xf32, #tpu.memory_space<hbm>>
    %dma_wait3A_234 = arith.constant 136 : i32
    %dma_wait3A_235 = tpu.memref_slice %arg6[%dma_wait3A_234, %mul3A_2] : memref<200x16384xf32, #tpu.memory_space<hbm>> -> memref<32x512xf32, #tpu.memory_space<hbm>>
    %dma_wait3A_236 = arith.constant 0 : i32
    %dma_wait3A_237 = arith.constant 0 : i32
    %dma_wait3A_238 = tpu.memref_slice %arg12[%dma_wait3A_227, %dma_wait3A_236, %dma_wait3A_237] : memref<2x32x512xf32, #tpu.memory_space<vmem>> -> memref<1x32x512xf32, #tpu.memory_space<vmem>>
    %dma_wait3A_239 = tpu.memref_squeeze %dma_wait3A_238 : memref<1x32x512xf32, #tpu.memory_space<vmem>> -> memref<32x512xf32, #tpu.memory_space<vmem>>
    tpu.wait_dma2 semaphore(%arg18 : memref<!tpu.dma_semaphore, #tpu.memory_space<semaphore_mem>>) src(%dma_wait3A_239 : memref<32x512xf32, #tpu.memory_space<vmem>>) dst(%dma_wait3A_235 : memref<32x512xf32, #tpu.memory_space<hbm>>)
    %dma_wait3A_240 = arith.constant 0 : i32
    %dma_wait3A_241 = arith.constant 0 : i32
    %dma_wait3A_242 = arith.constant 0 : i32
    %dma_wait3A_243 = tpu.memref_slice %arg12[%dma_wait3A_240, %dma_wait3A_241, %dma_wait3A_242] : memref<2x32x512xf32, #tpu.memory_space<vmem>> -> memref<1x32x512xf32, #tpu.memory_space<vmem>>
    %dma_wait3A_244 = tpu.memref_squeeze %dma_wait3A_243 : memref<1x32x512xf32, #tpu.memory_space<vmem>> -> memref<32x512xf32, #tpu.memory_space<vmem>>
    %dma_wait3A_245 = arith.constant 168 : i32
    %dma_wait3A_246 = tpu.memref_slice %arg6[%dma_wait3A_245, %mul3A_2] : memref<200x16384xf32, #tpu.memory_space<hbm>> -> memref<32x512xf32, #tpu.memory_space<hbm>>
    %dma_wait3A_247 = arith.constant 168 : i32
    %dma_wait3A_248 = tpu.memref_slice %arg6[%dma_wait3A_247, %mul3A_2] : memref<200x16384xf32, #tpu.memory_space<hbm>> -> memref<32x512xf32, #tpu.memory_space<hbm>>
    %dma_wait3A_249 = arith.constant 0 : i32
    %dma_wait3A_250 = arith.constant 0 : i32
    %dma_wait3A_251 = tpu.memref_slice %arg12[%dma_wait3A_240, %dma_wait3A_249, %dma_wait3A_250] : memref<2x32x512xf32, #tpu.memory_space<vmem>> -> memref<1x32x512xf32, #tpu.memory_space<vmem>>
    %dma_wait3A_252 = tpu.memref_squeeze %dma_wait3A_251 : memref<1x32x512xf32, #tpu.memory_space<vmem>> -> memref<32x512xf32, #tpu.memory_space<vmem>>
    tpu.wait_dma2 semaphore(%arg17 : memref<!tpu.dma_semaphore, #tpu.memory_space<semaphore_mem>>) src(%dma_wait3A_252 : memref<32x512xf32, #tpu.memory_space<vmem>>) dst(%dma_wait3A_248 : memref<32x512xf32, #tpu.memory_space<hbm>>)
    return
  }
}

</mosaic_0001>

<sc_bundles>
// kernel: kernel.3.cloned.1.call-start
scs
__scs_entry_jumppad:
0x0: {  	(pc) =	sbr.rel $0x88, $3  }
0x1: {  	(tag) =	ssettag $0x0;
	lr =	simm.s32 $0x1  }
0x2: {  	[smem:$0x3F9D] =	sst lr;
	_ =	strace $0xD0000000  }
0x3: {  	_ = 	snop  }
0x4: {  	_ = 	snop  }
0x5: {  	_ = 	snop  }
0x6: {  	_ = 	snop  }
0x7: {  	_ = 	snop  }
__scs_overlays_trampoline_lowered:
0x8: {  	[smem:$0x3FAC] =	sst s0  }
0x9: {  	[smem:$0x3FAD] =	sst s1  }
0xa: {  	[smem:$0x3FAE] =	sst s2  }
0xb: {  	[smem:$0x3FAF] =	sst s3  }
0xc: {  	[smem:$0x3FB0] =	sst s4  }
0xd: {  	[smem:$0x3FB1] =	sst s5  }
0xe: {  	[smem:$0x3FB2] =	sst s6  }
0xf: {  	[smem:$0x3FB3] =	sst s7  }
0x10: {  	[smem:$0x3FB4] =	sst s8  }
0x11: {  	[smem:$0x3FB5] =	sst s9;
	s0 =	simm.s32 @!p0 $0x0  }
0x12: {  	s1 =	sld [smem:$0x3F9B];
	s0 =	simm.s32 @p0 $0x1  }
0x13: {  	[smem:$0x3FB6] =	sst s0;
	s0 =	simm.s32 @!p1 $0x0  }
0x14: {  	s2 =	sld [smem:$0x3F9A];
	s0 =	simm.s32 @p1 $0x1  }
0x15: {  	[smem:$0x3FB7] =	sst s0;
	s0 =	simm.s32 @!p2 $0x0  }
0x16: {  	s3 =	sld [smem:$0x3FDB];
	s0 =	simm.s32 @p2 $0x1  }
0x17: {  	s4 =	simm.s32 $0x1BF5;
	[smem:$0x3FB9] =	sst s0  }
0x18: {  	s0 =	sld [smem:$0x3F9C];
	_ =	swait.ge [sflag:s4], $0x0  }
0x19: {  	s7 =	sld [smem:$0x3F9D]  }
0x1a: {  	s8 =	sadd.s32 $0xFFFFE003, lr  }
0x1b: {  	s9 =	sadd.s32 $0xFFFFFEF7, lr;
	s5 =	simm.s32 $0xFFFFFFFF;
	p2 =	slt.u32 s8, $0xFFFFF086  }
0x1c: {  	p1 =	slt.u32 s9, $0xF7A;
	s5 =	simm.s32 @!p2 $0x0  }
0x1d: {  	s5 =	simm.s32 @p1 $0x1;
	p0 =	seq.s32 s7, s2  }
0x1e: {  	s7 =	smul.u32 @!p0 $0xF7A, s2;
	p2 =	seq.s32 @!p0 s5, $0x0  }
0x1f: {  	s9 =	smul.u32 $0xF7A, s1;
	s8 =	simm.s32 @!p0 $0x1BF5;
	p2 =	por !p2, p0  }
0x20: {  	[sflag:s8] =	ssyncset.s32 @!p0 $0xFFFFF086;
	s6 =	sadd.s32 @!p0 s3, s7;
	s7 =	simm.s32 @!p0 $0x108  }
0x21: {  	s3 =	sadd.s32 s3, s9;
	s6 =	sadd.s32 @!p0 $0x88, s6;
	s7 =	simm.s32 @p2 $0x1082  }
0x22: {  	[simem:s7], [sflag:s8] =	dma.local @!p0 [hbm:s6], $0xF7A  }
0x23: {  	s9 =	sor.u32 $0xD0000000, s2;
	s6 =	simm.s32 $0x108;
	_ =	swait.ge @!p0 [sflag:s8], $0x0  }
0x24: {  	s3 =	sadd.s32 $0x88, s3;
	s6 =	simm.s32 @!p1 $0x1082;
	[sflag:s4] =	ssyncset.s32 $0xFFFFF086  }
0x25: {  	[simem:s6], [sflag:s4] =	dma.local [hbm:s3], $0xF7A  }
0x26: {  	[smem:$0x3F9D] =	sst s1;
	(tag) =	ssettag s2;
	_ =	strace s9  }
0x27: {  	s1 =	sld [smem:$0x3FAD]  }
0x28: {  	s2 =	sld [smem:$0x3FAE]  }
0x29: {  	s4 =	sld [smem:$0x3FB0]  }
0x2a: {  	p0 =	seq.s32 s5, $0x0;
	s5 =	sld [smem:$0x3FB1]  }
0x2b: {  	s6 =	sld [smem:$0x3FB2]  }
0x2c: {  	s7 =	sld [smem:$0x3FB3]  }
0x2d: {  	s3 =	simm.s32 $0x108;
	s8 =	sld [smem:$0x3FB4]  }
0x2e: {  	s3 =	simm.s32 @!p0 $0x1082;
	s9 =	sld [smem:$0x3FB5]  }
0x2f: {  	lr =	sadd.s32 s0, s3;
	s0 =	sld [smem:$0x3FAC]  }
0x30: {  	s3 =	sld [smem:$0x3FAF]  }
0x31: {  	[smem:$0x3FB8] =	sst s10  }
0x32: {  	s10 =	sld [smem:$0x3FB6];
	_ =	sdelay $0x3  }
0x33: {  	p0 =	seq.s32 s10, $0x1;
	s10 =	sld [smem:$0x3FB8];
	_ =	sdelay $0x3  }
0x34: {  	[smem:$0x3FB8] =	sst s10  }
0x35: {  	s10 =	sld [smem:$0x3FB7];
	_ =	sdelay $0x3  }
0x36: {  	p1 =	seq.s32 s10, $0x1;
	s10 =	sld [smem:$0x3FB8];
	_ =	sdelay $0x3  }
0x37: {  	[smem:$0x3FB8] =	sst s10  }
0x38: {  	s10 =	sld [smem:$0x3FB9]  }
0x39: {  	_ = 	snop;
	(pc) =	sbr.ind lr, $3  }
0x3a: {  	_ = 	snop  }
0x3b: {  	_ = 	snop  }
0x3c: {  	p2 =	seq.s32 s10, $0x1;
	s10 =	sld [smem:$0x3FB8]  }
0x3d: {  	_ =	shalt  }
0x3e: {  	_ =	shalt  }
0x3f: {  	_ =	shalt  }
0x40: {  	_ =	shalt  }
0x41: {  	_ =	shalt  }
0x42: {  	_ =	shalt  }
0x43: {  	_ =	shalt  }
0x44: {  	_ =	shalt  }
0x45: {  	_ =	shalt  }
0x46: {  	_ =	shalt  }
0x47: {  	_ =	shalt  }
0x48: {  	_ =	shalt  }
0x49: {  	_ =	shalt  }
0x4a: {  	_ =	shalt  }
0x4b: {  	_ =	shalt  }
0x4c: {  	_ =	shalt  }
0x4d: {  	_ =	shalt  }
0x4e: {  	_ =	shalt  }
0x4f: {  	_ =	shalt  }
0x50: {  	_ =	shalt  }
0x51: {  	_ =	shalt  }
0x52: {  	_ =	shalt  }
0x53: {  	_ =	shalt  }
0x54: {  	_ =	shalt  }
0x55: {  	_ =	shalt  }
0x56: {  	_ =	shalt  }
0x57: {  	_ =	shalt  }
0x58: {  	_ =	shalt  }
0x59: {  	_ =	shalt  }
0x5a: {  	_ =	shalt  }
0x5b: {  	_ =	shalt  }
0x5c: {  	_ =	shalt  }
0x5d: {  	_ =	shalt  }
0x5e: {  	_ =	shalt  }
0x5f: {  	_ =	shalt  }
0x60: {  	_ =	shalt  }
0x61: {  	_ =	shalt  }
0x62: {  	_ =	shalt  }
0x63: {  	_ =	shalt  }
0x64: {  	_ =	shalt  }
0x65: {  	_ =	shalt  }
0x66: {  	_ =	shalt  }
0x67: {  	_ =	shalt  }
0x68: {  	_ =	shalt  }
0x69: {  	_ =	shalt  }
0x6a: {  	_ =	shalt  }
0x6b: {  	_ =	shalt  }
0x6c: {  	_ =	shalt  }
0x6d: {  	_ =	shalt  }
0x6e: {  	_ =	shalt  }
0x6f: {  	_ =	shalt  }
0x70: {  	_ =	shalt  }
0x71: {  	_ =	shalt  }
0x72: {  	_ =	shalt  }
0x73: {  	_ =	shalt  }
0x74: {  	_ =	shalt  }
0x75: {  	_ =	shalt  }
0x76: {  	_ =	shalt  }
0x77: {  	_ =	shalt  }
0x78: {  	_ =	shalt  }
0x79: {  	_ =	shalt  }
0x7a: {  	_ =	shalt  }
0x7b: {  	_ =	shalt  }
0x7c: {  	_ =	shalt  }
0x7d: {  	_ =	shalt  }
0x7e: {  	_ =	shalt  }
0x7f: {  	_ =	shalt  }
0x80: {  	_ =	shalt  }
0x81: {  	_ =	shalt  }
0x82: {  	_ =	shalt  }
0x83: {  	_ =	shalt  }
0x84: {  	_ =	shalt  }
0x85: {  	_ =	shalt  }
0x86: {  	_ =	shalt  }
0x87: {  	_ =	shalt  }
.Lfunc_end0:
.L_simem_size_0:
called_computation_lowered:
.L_overlay_start_0:
0x88: {  	s2 =	sld [smem:$0x3FD9]  }
0x89: {  	s3 =	sld [smem:$0x3FFE];
	_ =	sdelay $0x1  }
0x8a: {  	s1 =	srdreg.scid  }
0x8b: {  	s0 =	sand.u32 $0x1, s1  }
0x8c: {  	s18 =	sshll.u32 s0, $0xA;
	s2 =	sadd.s32 s3, s2  }
0x8d: {  	s2 =	sadd.s32 s2, s18  }
0x8e: {  	[smem:$0x3FC4] =	sst s2  }
0x8f: {  	_ = 	snop  }
0x90: {  	s2 =	sld [smem:$0x3FC9]  }
0x91: {  	s19 =	sld [smem:$0x3FC8]  }
0x92: {  	s4 =	sld [smem:$0x3FC7]  }
0x93: {  	s5 =	sld [smem:$0x3FC6]  }
0x94: {  	s6 =	sld [smem:$0x3FD0];
	(tm) =	ssettm $0x1  }
0x95: {  	s7 =	sld [smem:$0x3FFB];
	_ =	sdelay $0x3  }
0x96: {  	_ =	strace s7  }
0x97: {  	s7 =	sld [smem:$0x3FFC];
	_ =	sdelay $0x3  }
0x98: {  	_ =	strace s7  }
0x99: {  	s7 =	sld [smem:$0x3FFD];
	_ =	sdelay $0x3  }
0x9a: {  	_ =	strace s7  }
0x9b: {  	_ =	strace $0x8FFFFFFF  }
0x9c: {  	s20 =	sld [smem:$0x3FDB];
	_ =	sdelay $0x1  }
0x9d: {  	s8 =	simm.s32 $_scs_section_size  }
0x9e: {  	s9 =	simm.s32 $_size__tile_overlayer_lowered;
	s10 =	simm.s32 $_tile_overlayer_lowered  }
0x9f: {  	s23 =	simm.s32 $0x1BFF;
	s22 =	sshll.u32 s10, $0x1;
	s7 =	sadd.s32 s8, s20  }
0xa0: {  	s11 =	simm.s32 $0x0;
	s21 =	sshll.u32 s9, $0x1;
	s9 =	sadd.s32 s22, s7  }
0xa1: {  	[timem:s11], [sflag:s23] =	dma.local [hbm:s9], s21  }
0xa2: {  	_ =	swait.ge [sflag:s23], s21  }
0xa3: {  	s8 =	ssub.s32 $0x0, s21;
	[sflag:s23] =	ssyncset.done $0x0  }
0xa4: {  	[sflag:s23] =	ssyncadd.s32 s8;
	_ =	sdelay $0x1  }
0xa5: {  	s24 =	simm.s32 $0x1B8B  }
0xa6: {  	_ =	swait.ge [sflag:s24], $0x1  }
0xa7: {  	[sflag:s24] =	ssyncset.done $0x0  }
0xa8: {  	s25 =	simm.s32 $0x1B8E;
	[sflag:s24] =	ssyncadd.s32 $0xFFFFFFFF  }
0xa9: {  	s26 =	simm.s32 $execute0_lowered;
	[smem:$0x3FD2] =	sst s25  }
0xaa: {  	s8 =	sshll.u32 s26, $0x1;
	_ =	strace $0x80000046;
	[dreg:$0x1] =	wrdreg $0xFFFFFFFF  }
0xab: {  	s28 =	simm.s32 $_size_execute0_lowered;
	s7 =	sadd.s32 s7, s8;
	[dreg:$0x0] =	wrdreg $0x0  }
0xac: {  	s8 =	sshll.u32 s28, $0x1;
	[dreg:$0x2] =	wrdreg s7  }
0xad: {  	[dreg:$0x3] =	wrdreg s8  }
0xae: {  	[dreg:$0x4] =	wrdreg $0xC0  }
0xaf: {  	_ =	task [dreg:s11], $0x5FFFF  }
0xb0: {  	[dreg:$0x1] =	wrdreg $0xFFFFFFFF  }
0xb1: {  	[dreg:$0x0] =	wrdreg $0x60  }
0xb2: {  	[dreg:$0x2] =	wrdreg s2  }
0xb3: {  	[dreg:$0x3] =	wrdreg s19  }
0xb4: {  	[dreg:$0x4] =	wrdreg s4  }
0xb5: {  	[dreg:$0x5] =	wrdreg s5  }
0xb6: {  	[dreg:$0x6] =	wrdreg s6  }
0xb7: {  	[dreg:$0x7] =	wrdreg $0x9  }
0xb8: {  	_ =	task.clear_ibuf [dreg:s11], $0x8FFFF;
	_ =	strace $0x90000046  }
0xb9: {  	s29 =	simm.s32 $0x9;
	_ =	strace $0x80000048  }
0xba: {  	_ =	swait.ge [sflag:s29], $0x1  }
0xbb: {  	[sflag:s29] =	ssyncadd.s32 $0xFFFFFFFF  }
0xbc: {  	_ =	strace $0x90000048  }
0xbd: {  	_ =	sfence  }
0xbe: {  	s30 =	sld [smem:$0x0];
	_ =	sdelay $0x2  }
0xbf: {  	s31 =	sshll.u32 s1, $0xD;
	s1 =	sshrl.u32 s1, $0x2  }
0xc0: {  	s3 =	sand.u32 $0x4000, s31;
	s1 =	sadd.s32 s1, s30  }
0xc1: {  	s0 =	sor.u32 s3, s0;
	s1 =	sshll.u32 s1, $0x11  }
0xc2: {  	s0 =	sor.u32 s1, s0  }
0xc3: {  	s0 =	sadd.s32 $0x8F2B, s0  }
0xc4: {  	[sflag:s0] =	ssyncadd.remote.s32 $0x1  }
0xc5: {  	_ =	sfence.sel $0xFFFF  }
0xc6: {  	[dreg:$0x0] =	wrdreg $0xFFFFFFFF;
	(pc) =	sbr.abs _section_cstart, $3  }
0xc7: {  	[dreg:$0x1] =	wrdreg $0xFFFFFFFF  }
0xc8: {  	_ =	task.clear_ibuf [dreg:s11], $0x2FFFF;
	_ =	strace $0x9FFFFFFF  }
0xc9: {  	(tm) =	ssettm $0x7FFFFFFF  }
tec
execute0_lowered:
.L_overlay_start_1:
0x0: {  	(tag) =	ssettag $0x1  }
0x1: {  	s1 =	rddreg [dreg:$0x0]  }
0x2: {  	s2 =	rddreg [dreg:$0x1]  }
0x3: {  	s6 =	rddreg [dreg:$0x4];
	s0 =	srdreg.scid;
	s5 =	simm.s32 $0x0  }
0x4: {  	s4 =	stileid.u32;
	s18 =	simm.s32 $0x180;
	s19 =	simm.s32 $0x1000  }
0x5: {  	s28 =	simm.s32 $0x100;
	s30 =	simm.s32 $0x2;
	s0 =	sand.u32 $0x1, s0  }
0x6: {  	s4 =	sshll.u32 s4, $0xD;
	s3 =	ssub.s32 $0x2, s0;
	s0 =	sshll.u32 s0, $0xC  }
0x7: {  	s31 =	simm.s32 $0x4;
	[smem:$0x7FF] =	sst s5;
	s8 =	sor.u32 s0, s4  }
0x8: {  	s15 =	sadd.s32 $0x4000, s6;
	s20 =	sshrl.u32 s3, $0x1;
	s22 =	sshrl.u32 s8, $0x3  }
0x9: {  	_ =	strace $0x80000047;
	s21 =	ssub.s32 s3, s20;
	s23 =	sadd.s32 s1, s22  }
0xa: {  	s14 =	sor.u32 $0x120000, s8;
	s24 =	sadd.s32 s2, s22;
	[dreg:$0x6] =	wrdreg s23  }
0xb: {  	s20 =	simm.s32 $0x20000;
	s29 =	sadd.s32 s6, s22;
	[dreg:$0x7] =	wrdreg s24  }
0xc: {  	s25 =	sor.u32 $0x4000, s22;
	s0 =	smax.u32 s21, $0x1;
	[dreg:$0xa] =	wrdreg s29  }
0xd: {  	s1 =	sadd.s32 s1, s25;
	s26 =	sadd.s32 s2, s25;
	[dreg:$0xb] =	wrdreg s0  }
0xe: {  	s24 =	simm.s32 $0x8180;
	s25 =	simm.s32 $0x1;
	[dreg:$0x8] =	wrdreg s1  }
0xf: {  	s2 =	simm.s32 $0x0;
	[dreg:$0x9] =	wrdreg s26;
	s26 =	simm.s32 $0x3  }
.LBB2_1:
0x10: {  	[dreg:$0xc] =	wrdreg s2  }
0x11: {  	s1 =	simm.s32 $0x0;
	s0 =	rddreg [dreg:$0x6]  }
0x12: {  	[tilespmem:s18], [sflag:$0x1] =	stream.linear.gather [hbm4b:s0+s1], $0x1000, $0x38;
	[tilespmem:$0x18180] =	vst v63  }
0x13: {  	s13 =	rddreg [dreg:$0x7]  }
0x14: {  	[tilespmem:s24], [sflag:$0x3] =	stream.linear.gather [hbm4b:s13+s1], $0x1000, $0x38;
	[tilespmem:$0x18180] =	vst v63  }
0x15: {  	s16 =	rddreg [dreg:$0x8];
	s17 =	simm.s32 $0x4180  }
0x16: {  	[tilespmem:s17], [sflag:$0x2] =	stream.strided.gather [hbm4b:s16+s19], $0x4000, s20, s19, $0x38;
	[tilespmem:$0x18180] =	vst v63  }
0x17: {  	s21 =	simm.s32 $0xC180;
	s18 =	rddreg [dreg:$0x9]  }
0x18: {  	[tilespmem:s21], [sflag:$0x4] =	stream.strided.gather [hbm4b:s18+s19], $0x4000, s20, s19, $0x38;
	[tilespmem:$0x18180] =	vst v63  }
0x19: {  	s22 =	rddreg [dreg:$0x2]  }
0x1a: {  	[tilespmem:s1], [sflag:$0x7] =	stream.linear.gather [hbm4b:s22+s1], $0x18, $0x38;
	[tilespmem:$0x18180] =	vst v63  }
0x1b: {  	s23 =	rddreg [dreg:$0x3];
	s29 =	simm.s32 $0x7;
	s24 =	simm.s32 $0x80  }
0x1c: {  	[tilespmem:s24], [sflag:$0x7] =	stream.linear.gather [hbm4b:s23+s1], $0x18, $0x38;
	[tilespmem:$0x18180] =	vst v63  }
0x1d: {  	_ =	swait.ge [sflag:s29], $0x18  }
0x1e: {  	[sflag:s29] =	ssyncset.done $0x0  }
0x1f: {  	[sflag:s29] =	ssyncadd.s32 $0xFFFFFFE8  }
0x20: {  	_ =	swait.ge [sflag:s29], $0x18  }
0x21: {  	[sflag:s29] =	ssyncset.done $0x0  }
0x22: {  	[sflag:s29] =	ssyncadd.s32 $0xFFFFFFE8  }
0x23: {  	v0 =	vld [tilespmem:$0x0];
	_ =	sdelay $0x4  }
0x24: {  	v1 =	vand.u32 $0x7FFFFFFF, v0  }
0x25: {  	v1 =	vsub.f32 $0.0e+00, v1;
	_ =	sdelay $0x1  }
0x26: {  	v1 =	vmul.f32 $1.442695020e+00, v1;
	_ =	sdelay $0x1  }
0x27: {  	(erf) = vpow2.f32 v1;
	_ =	sdelay $0x8  }
0x28: {  	v1 =	vpop (erf)  }
0x29: {  	v2 =	vadd.f32 $2.000000000e+00, v1;
	_ =	sdelay $0x1  }
0x2a: {  	(erf) = vrcp.f32 v2;
	_ =	sdelay $0x7  }
0x2b: {  	v49 =	vadd.f32 v1, v1  }
0x2c: {  	v3 =	vpop (erf)  }
0x2d: {  	v2 =	vmul.f32 v3, v49;
	_ =	sdelay $0x1  }
0x2e: {  	v3 =	vsub.f32 $0.0e+00, v2;
	_ =	sdelay $0x1  }
0x2f: {  	v3 =	vmul.f32 $1.442695020e+00, v3;
	_ =	sdelay $0x1  }
0x30: {  	(erf) = vpow2.f32 v3;
	_ =	sdelay $0x7  }
0x31: {  	v1 =	vadd.f32 $1.000000000e+00, v1  }
0x32: {  	v3 =	vpop (erf)  }
0x33: {  	v3 =	vmul.f32 v3, v1;
	_ =	sdelay $0x1  }
0x34: {  	v2 =	vadd.f32 v3, v2;
	_ =	sdelay $0x1  }
0x35: {  	v2 =	vadd.f32 $-1.000000000e+00, v2;
	_ =	sdelay $0x1  }
0x36: {  	v50 =	vsub.f32 $0.0e+00, v2;
	_ =	sdelay $0x1  }
0x37: {  	v3 =	vmul.f32 $1.442695020e+00, v50;
	_ =	sdelay $0x1  }
0x38: {  	(erf) = vpow2.f32 v3;
	_ =	sdelay $0x8  }
0x39: {  	v3 =	vpop (erf)  }
0x3a: {  	v3 =	vmul.f32 v3, v1;
	_ =	sdelay $0x1  }
0x3b: {  	v2 =	vadd.f32 v3, v2;
	_ =	sdelay $0x1  }
0x3c: {  	v51 =	vld [tilespmem:$0x80];
	v2 =	vadd.f32 $-1.000000000e+00, v2;
	_ =	sdelay $0x1  }
0x3d: {  	v4 =	vsub.f32 $0.0e+00, v2;
	_ =	sdelay $0x1  }
0x3e: {  	v4 =	vmul.f32 $1.442695020e+00, v4  }
0x3f: {  	v3 =	vmul.f32 $1.442695020e+00, v51  }
0x40: {  	(erf) = vpow2.f32 v4  }
0x41: {  	(erf) = vpow2.f32 v3;
	_ =	sdelay $0x2  }
0x42: {  	v52 =	vld [tilespmem:$0x10];
	_ =	sdelay $0x4  }
0x43: {  	v5 =	vand.u32 $0x7FFFFFFF, v52;
	v4 =	vpop (erf)  }
0x44: {  	v5 =	vsub.f32 $0.0e+00, v5;
	v6 =	vpop (erf)  }
0x45: {  	v6 =	vadd.f32 $1.000000000e+00, v6  }
0x46: {  	v5 =	vmul.f32 $1.442695020e+00, v5  }
0x47: {  	(erf) = vrcp.f32 v6  }
0x48: {  	(erf) = vpow2.f32 v5;
	_ =	sdelay $0x7  }
0x49: {  	v53 =	vpop (erf)  }
0x4a: {  	v54 =	vpop (erf)  }
0x4b: {  	v7 =	vadd.f32 $2.000000000e+00, v54;
	_ =	sdelay $0x1  }
0x4c: {  	(erf) = vrcp.f32 v7;
	_ =	sdelay $0x7  }
0x4d: {  	v55 =	vadd.f32 v54, v54  }
0x4e: {  	v8 =	vpop (erf)  }
0x4f: {  	v7 =	vmul.f32 v8, v55;
	_ =	sdelay $0x1  }
0x50: {  	v8 =	vsub.f32 $0.0e+00, v7;
	_ =	sdelay $0x1  }
0x51: {  	v8 =	vmul.f32 $1.442695020e+00, v8;
	_ =	sdelay $0x1  }
0x52: {  	(erf) = vpow2.f32 v8;
	_ =	sdelay $0x7  }
0x53: {  	v6 =	vadd.f32 $1.000000000e+00, v54  }
0x54: {  	v8 =	vpop (erf)  }
0x55: {  	v8 =	vmul.f32 v8, v6;
	_ =	sdelay $0x1  }
0x56: {  	v7 =	vadd.f32 v8, v7;
	_ =	sdelay $0x1  }
0x57: {  	v7 =	vadd.f32 $-1.000000000e+00, v7;
	_ =	sdelay $0x1  }
0x58: {  	v56 =	vsub.f32 $0.0e+00, v7;
	_ =	sdelay $0x1  }
0x59: {  	v8 =	vmul.f32 $1.442695020e+00, v56;
	_ =	sdelay $0x1  }
0x5a: {  	(erf) = vpow2.f32 v8;
	_ =	sdelay $0x8  }
0x5b: {  	v8 =	vpop (erf)  }
0x5c: {  	v8 =	vmul.f32 v8, v6;
	_ =	sdelay $0x1  }
0x5d: {  	v7 =	vadd.f32 v8, v7;
	_ =	sdelay $0x1  }
0x5e: {  	v57 =	vld [tilespmem:$0x90];
	v7 =	vadd.f32 $-1.000000000e+00, v7;
	_ =	sdelay $0x1  }
0x5f: {  	v9 =	vsub.f32 $0.0e+00, v7;
	_ =	sdelay $0x1  }
0x60: {  	v9 =	vmul.f32 $1.442695020e+00, v9  }
0x61: {  	v8 =	vmul.f32 $1.442695020e+00, v57  }
0x62: {  	(erf) = vpow2.f32 v9  }
0x63: {  	(erf) = vpow2.f32 v8;
	_ =	sdelay $0x7  }
0x64: {  	v58 =	vpop (erf)  }
0x65: {  	v59 =	vpop (erf)  }
0x66: {  	v9 =	vadd.f32 $1.000000000e+00, v59;
	_ =	sdelay $0x1  }
0x67: {  	(erf) = vrcp.f32 v9  }
0x68: {  	v1 =	vmul.f32 v4, v1  }
0x69: {  	v60 =	vmul.f32 v58, v6  }
0x6a: {  	v1 =	vadd.f32 v1, v2  }
0x6b: {  	v61 =	vadd.f32 v60, v7  }
0x6c: {  	v1 =	vadd.f32 $-1.000000000e+00, v1  }
0x6d: {  	v0 =	vmax.f32 v0, $0.0e+00;
	v2 =	vadd.f32 $-1.000000000e+00, v61  }
0x6e: {  	v62 =	vmax.f32 v52, $0.0e+00;
	v0 =	vadd.f32 v1, v0  }
0x6f: {  	v1 =	vadd.f32 v2, v62  }
0x70: {  	v0 =	vmul.f32 v0, v53;
	v63 =	vpop (erf)  }
0x71: {  	v1 =	vmul.f32 v1, v63  }
0x72: {  	[tilespmem:$0x100] =	vst v0  }
0x73: {  	[tilespmem:$0x110] =	vst v1  }
0x74: {  	_ =	swait.ge [sflag:s25], $0x1000  }
0x75: {  	[sflag:s25] =	ssyncset.done $0x0  }
0x76: {  	[sflag:s25] =	ssyncadd.s32 $0xFFFFF000  }
0x77: {  	_ =	swait.ge [sflag:s26], $0x1000  }
0x78: {  	[sflag:s26] =	ssyncset.done $0x0  }
0x79: {  	s21 =	simm.s32 $0x0;
	[sflag:s26] =	ssyncadd.s32 $0xFFFFF000  }
.LBB2_2:
0x7a: {  	s12 =	sshll.u32 s21, $0x7;
	s3 =	simm.s32 $0x0  }
0x7b: {  	s4 =	simm.s32 $0x0;
	s5 =	sor.u32 $0x30, s12;
	s7 =	sand.u32 $0x40, s3  }
0x7c: {  	s4 =	sand.u32 $0xC00, s4;
	s3 =	sor.u32 s5, s7  }
0x7d: {  	s9 =	sor.u32 s12, s7;
	s16 =	sor.u32 s4, s3  }
0x7e: {  	s3 =	sor.u32 $0x10, s12;
	s24 =	sor.u32 s4, s9;
	v1 =	vld [tilespmem:s16+$0x8180]  }
0x7f: {  	s10 =	sor.u32 s3, s7;
	v2 =	vld [tilespmem:s24+$0x8180]  }
0x80: {  	s13 =	sor.u32 $0x20, s12;
	v5 =	vld [tilespmem:s24+$0x180];
	s6 =	sor.u32 s4, s10  }
0x81: {  	s7 =	sor.u32 s13, s7;
	v3 =	vld [tilespmem:s6+$0x8180]  }
0x82: {  	v8 =	vld [tilespmem:s16+$0x180];
	s9 =	sor.u32 s4, s7;
	s4 =	simm.s32 $0x40  }
0x83: {  	s7 =	simm.s32 $0x200;
	v4 =	vld [tilespmem:s9+$0x8180];
	s18 =	sand.u32 $0x40, s4  }
0x84: {  	v9 =	vld [tilespmem:s6+$0x180];
	s0 =	sand.u32 $0xC00, s7;
	s11 =	sor.u32 s5, s18  }
0x85: {  	v0 =	vld [tilespmem:s9+$0x180];
	s23 =	sor.u32 s0, s11  }
0x86: {  	v7 =	vld [tilespmem:s23+$0x8180]  }
0x87: {  	v1 =	vld.idx.msk [tilespmem:v1+s28+$0x0], $0xffff  }
0x88: {  	s22 =	sor.u32 s12, s18;
	v2 =	vld.idx.msk [tilespmem:v2+s28+$0x0], $0xffff  }
0x89: {  	s29 =	sor.u32 s3, s18;
	s22 =	sor.u32 s0, s22;
	v10 =	vld.idx.msk [tilespmem:v3+s28+$0x0], $0xffff  }
0x8a: {  	s10 =	sor.u32 s13, s18;
	s11 =	sor.u32 s0, s29;
	v6 =	vld [tilespmem:s22+$0x8180]  }
0x8b: {  	s10 =	sor.u32 s0, s10;
	v3 =	vld [tilespmem:s11+$0x8180]  }
0x8c: {  	v1 =	vmul.f32 v8, v1;
	v8 =	vld [tilespmem:s10+$0x8180]  }
0x8d: {  	v11 =	vmul.f32 v5, v2;
	v5 =	vld.idx.msk [tilespmem:v4+s28+$0x0], $0xffff  }
0x8e: {  	v2 =	vld [tilespmem:s22+$0x180];
	[tilespmem:s16+$0x10180] =	vst v1;
	v9 =	vmul.f32 v9, v10  }
0x8f: {  	v4 =	vld [tilespmem:s10+$0x180];
	[tilespmem:s24+$0x10180] =	vst v11  }
0x90: {  	v1 =	vld [tilespmem:s11+$0x180];
	[tilespmem:s6+$0x10180] =	vst v9  }
.LBB2_3:
0x91: {  	s4 =	sadd.s32 $0x40, s4;
	v9 =	vld.idx.msk [tilespmem:v7+s28+$0x0], $0xffff;
	v10 =	vmov v8  }
0x92: {  	s7 =	sadd.s32 $0x200, s7;
	s0 =	sand.u32 $0x40, s4;
	p0 =	slt.u32 s4, $0x1C0;
	v8 =	vld [tilespmem:s23+$0x180]  }
0x93: {  	s6 =	sand.u32 $0xC00, s7;
	v5 =	vmul.f32 v0, v5;
	s16 =	sor.u32 s12, s0;
	s24 =	sor.u32 s5, s0;
	v11 =	vld.idx.msk [tilespmem:v6+s28+$0x0], $0xffff  }
0x94: {  	s17 =	sor.u32 s3, s0;
	s0 =	sor.u32 s13, s0;
	s24 =	sor.u32 s6, s24;
	v12 =	vld.idx.msk [tilespmem:v3+s28+$0x0], $0xffff  }
0x95: {  	s16 =	sor.u32 s6, s16;
	s17 =	sor.u32 s6, s17;
	s0 =	sor.u32 s6, s0;
	v7 =	vld [tilespmem:s24+$0x8180];
	[tilespmem:s9+$0x10180] =	vst v5;
	v0 =	vmov v4  }
0x96: {  	s9 =	smov.u32 s10;
	s10 =	smov.u32 s0;
	v6 =	vld [tilespmem:s16+$0x8180]  }
0x97: {  	v3 =	vld [tilespmem:s17+$0x8180];
	v4 =	vmul.f32 v8, v9  }
.Ltmp0:
0x98: {  	v8 =	vld [tilespmem:s10+$0x8180];
	(pc) =	sbr.rel @p0 .LBB2_3-.Ltmp0, $4  }
0x99: {  	v9 =	vmul.f32 v2, v11;
	v5 =	vld.idx.msk [tilespmem:v10+s28+$0x0], $0xffff;
	[tilespmem:s23+$0x10180] =	vst v4;
	s23 =	smov.u32 s24  }
0x9a: {  	v10 =	vmul.f32 v1, v12;
	v2 =	vld [tilespmem:s16+$0x180]  }
0x9b: {  	v1 =	vld [tilespmem:s17+$0x180];
	[tilespmem:s22+$0x10180] =	vst v9;
	s22 =	smov.u32 s16  }
0x9c: {  	v4 =	vld [tilespmem:s10+$0x180];
	[tilespmem:s11+$0x10180] =	vst v10;
	s11 =	smov.u32 s17  }
0x9d: {  	_ =	sdelay $0x3  }
0x9e: {  	v7 =	vld.idx.msk [tilespmem:v7+s28+$0x0], $0xffff  }
0x9f: {  	s0 =	simm.s32 $0x0;
	v9 =	vld [tilespmem:s23+$0x180]  }
0xa0: {  	s13 =	sor.u32 $0xB0, s12;
	s3 =	simm.s32 $0x0;
	v6 =	vld.idx.msk [tilespmem:v6+s28+$0x0], $0xffff;
	s0 =	sand.u32 $0x40, s0  }
0xa1: {  	v10 =	vld.idx.msk [tilespmem:v3+s28+$0x0], $0xffff;
	s16 =	sor.u32 $0x80, s12;
	s3 =	sand.u32 $0xC00, s3;
	s4 =	sor.u32 s13, s0  }
0xa2: {  	s5 =	sor.u32 $0x90, s12;
	v8 =	vld.idx.msk [tilespmem:v8+s28+$0x0], $0xffff;
	s29 =	sor.u32 s16, s0;
	s6 =	sor.u32 s3, s4  }
0xa3: {  	s12 =	sor.u32 $0xA0, s12;
	s7 =	sor.u32 s5, s0;
	s17 =	sor.u32 s3, s29;
	v11 =	vld [tilespmem:s6+$0x8180]  }
0xa4: {  	s0 =	sor.u32 s12, s0;
	s18 =	sor.u32 s3, s7;
	v12 =	vld [tilespmem:s17+$0x8180]  }
0xa5: {  	s3 =	sor.u32 s3, s0;
	v13 =	vld [tilespmem:s18+$0x8180]  }
0xa6: {  	v14 =	vld [tilespmem:s3+$0x8180]  }
0xa7: {  	s7 =	simm.s32 $0x40;
	v15 =	vld [tilespmem:s17+$0x180]  }
0xa8: {  	s4 =	simm.s32 $0x200;
	v16 =	vld [tilespmem:s18+$0x180];
	s0 =	sand.u32 $0x40, s7  }
0xa9: {  	v3 =	vld [tilespmem:s3+$0x180];
	s29 =	sand.u32 $0xC00, s4;
	s24 =	sor.u32 s13, s0  }
0xaa: {  	v17 =	vld [tilespmem:s6+$0x180];
	s24 =	sor.u32 s29, s24  }
0xab: {  	v0 =	vmul.f32 v0, v5;
	v5 =	vld [tilespmem:s24+$0x8180]  }
0xac: {  	v11 =	vld.idx.msk [tilespmem:v11+s28+$0x0], $0xffff  }
0xad: {  	v7 =	vmul.f32 v9, v7;
	s1 =	sor.u32 s16, s0;
	v12 =	vld.idx.msk [tilespmem:v12+s28+$0x0], $0xffff  }
0xae: {  	[tilespmem:s9+$0x10180] =	vst v0;
	v0 =	vmul.f32 v2, v6;
	s2 =	sor.u32 s5, s0;
	s9 =	sor.u32 s29, s1;
	v9 =	vld.idx.msk [tilespmem:v13+s28+$0x0], $0xffff  }
0xaf: {  	v1 =	vmul.f32 v1, v10;
	s0 =	sor.u32 s12, s0;
	[tilespmem:s23+$0x10180] =	vst v7;
	s23 =	sor.u32 s29, s2;
	v2 =	vld [tilespmem:s9+$0x8180]  }
0xb0: {  	[tilespmem:s22+$0x10180] =	vst v0;
	s22 =	sor.u32 s29, s0;
	v0 =	vmul.f32 v4, v8;
	v4 =	vld [tilespmem:s23+$0x8180]  }
0xb1: {  	[tilespmem:s11+$0x10180] =	vst v1;
	v8 =	vld [tilespmem:s22+$0x8180];
	v1 =	vmul.f32 v17, v11  }
0xb2: {  	[tilespmem:s10+$0x10180] =	vst v0;
	v0 =	vld [tilespmem:s23+$0x180];
	v6 =	vmul.f32 v15, v12  }
0xb3: {  	v7 =	vld.idx.msk [tilespmem:v14+s28+$0x0], $0xffff;
	v9 =	vmul.f32 v16, v9;
	[tilespmem:s6+$0x10180] =	vst v1  }
0xb4: {  	v1 =	vld [tilespmem:s9+$0x180];
	[tilespmem:s17+$0x10180] =	vst v6  }
0xb5: {  	v6 =	vld [tilespmem:s22+$0x180];
	[tilespmem:s18+$0x10180] =	vst v9  }
.LBB2_5:
0xb6: {  	s7 =	sadd.s32 $0x40, s7;
	v9 =	vld.idx.msk [tilespmem:v5+s28+$0x0], $0xffff;
	v10 =	vmov v8  }
0xb7: {  	s4 =	sadd.s32 $0x200, s4;
	s0 =	sand.u32 $0x40, s7;
	p0 =	slt.u32 s7, $0x1C0;
	v8 =	vld [tilespmem:s24+$0x180]  }
0xb8: {  	s1 =	sand.u32 $0xC00, s4;
	s2 =	sor.u32 s16, s0;
	s6 =	sor.u32 s13, s0;
	v11 =	vld.idx.msk [tilespmem:v2+s28+$0x0], $0xffff;
	v2 =	vmul.f32 v3, v7  }
0xb9: {  	s10 =	sor.u32 s5, s0;
	s0 =	sor.u32 s12, s0;
	s6 =	sor.u32 s1, s6;
	v12 =	vld.idx.msk [tilespmem:v4+s28+$0x0], $0xffff  }
0xba: {  	s2 =	sor.u32 s1, s2;
	s10 =	sor.u32 s1, s10;
	s0 =	sor.u32 s1, s0;
	v5 =	vld [tilespmem:s6+$0x8180];
	[tilespmem:s3+$0x10180] =	vst v2;
	v3 =	vmov v6  }
0xbb: {  	s3 =	smov.u32 s22;
	s22 =	smov.u32 s0;
	v2 =	vld [tilespmem:s2+$0x8180]  }
0xbc: {  	v4 =	vld [tilespmem:s10+$0x8180];
	v6 =	vmul.f32 v8, v9  }
.Ltmp1:
0xbd: {  	v8 =	vld [tilespmem:s22+$0x8180];
	(pc) =	sbr.rel @p0 .LBB2_5-.Ltmp1, $4  }
0xbe: {  	v9 =	vmul.f32 v1, v11;
	v7 =	vld.idx.msk [tilespmem:v10+s28+$0x0], $0xffff;
	[tilespmem:s24+$0x10180] =	vst v6;
	s24 =	smov.u32 s6  }
0xbf: {  	v10 =	vmul.f32 v0, v12;
	v1 =	vld [tilespmem:s2+$0x180]  }
0xc0: {  	v0 =	vld [tilespmem:s10+$0x180];
	[tilespmem:s9+$0x10180] =	vst v9;
	s9 =	smov.u32 s2  }
0xc1: {  	v6 =	vld [tilespmem:s22+$0x180];
	[tilespmem:s23+$0x10180] =	vst v10;
	s23 =	smov.u32 s10  }
0xc2: {  	_ =	sdelay $0x3  }
0xc3: {  	v5 =	vld.idx.msk [tilespmem:v5+s28+$0x0], $0xffff  }
0xc4: {  	v9 =	vld [tilespmem:s24+$0x180]  }
0xc5: {  	v2 =	vld.idx.msk [tilespmem:v2+s28+$0x0], $0xffff  }
0xc6: {  	v4 =	vld.idx.msk [tilespmem:v4+s28+$0x0], $0xffff  }
0xc7: {  	v8 =	vld.idx.msk [tilespmem:v8+s28+$0x0], $0xffff  }
0xc8: {  	v3 =	vmul.f32 v3, v7  }
0xc9: {  	p0 =	slt.u32 s21, $0x6;
	v5 =	vmul.f32 v9, v5  }
.Ltmp2:
0xca: {  	[tilespmem:s3+$0x10180] =	vst v3;
	v1 =	vmul.f32 v1, v2;
	(pc) =	sbr.rel @p0 .LBB2_2-.Ltmp2, $4  }
0xcb: {  	v0 =	vmul.f32 v0, v4;
	[tilespmem:s24+$0x10180] =	vst v5  }
0xcc: {  	v63 =	vmul.f32 v6, v8;
	[tilespmem:s9+$0x10180] =	vst v1  }
0xcd: {  	s0 =	sadd.s32 $0x2, s21;
	[tilespmem:s23+$0x10180] =	vst v0  }
0xce: {  	s21 =	smov.u32 s0;
	[tilespmem:s22+$0x10180] =	vst v63  }
0xcf: {  	s0 =	rddreg [dreg:$0xa]  }
0xd0: {  	s6 =	rddreg [dreg:$0x0]  }
0xd1: {  	s21 =	simm.s32 $0x0;
	s1 =	simm.s32 $0x10180;
	s16 =	rddreg [dreg:$0x1]  }
0xd2: {  	s17 =	rddreg [dreg:$0x4];
	s18 =	simm.s32 $0x180;
	s24 =	simm.s32 $0x8180  }
0xd3: {  	[hbm4b:s0+s21] =	stream.linear.scatter [tilespmem:s1], [sflag:$0x7], $0x1000, $0x38;
	[tilespmem:$0x18180] =	vst v63  }
.LBB2_8:
0xd4: {  	s23 =	sshll.u32 s21, $0x14  }
0xd5: {  	s0 =	sor.u32 s8, s23  }
0xd6: {  	s9 =	sshrl.u32 s0, $0x3  }
0xd7: {  	s22 =	sor.u32 $0x14000, s9  }
0xd8: {  	s13 =	sadd.s32 s6, s22  }
0xd9: {  	[tilespmem:s18], [sflag:$0x1] =	stream.strided.gather [hbm4b:s13+s19], $0x4000, s20, s19, $0x38;
	[tilespmem:$0x18180] =	vst v63  }
0xda: {  	s29 =	sadd.s32 s16, s22  }
0xdb: {  	[tilespmem:s24], [sflag:$0x3] =	stream.strided.gather [hbm4b:s29+s19], $0x4000, s20, s19, $0x38;
	[tilespmem:$0x18180] =	vst v63  }
0xdc: {  	_ =	swait.ge [sflag:s30], $0x4000  }
0xdd: {  	[sflag:s30] =	ssyncset.done $0x0  }
0xde: {  	[sflag:s30] =	ssyncadd.s32 $0xFFFFC000  }
0xdf: {  	_ =	swait.ge [sflag:s31], $0x4000  }
0xe0: {  	p0 =	seq.s32 s21, $0x0;
	[sflag:s31] =	ssyncset.done $0x0  }
0xe1: {  	s0 =	simm.s32 @!p0 $0x6;
	[sflag:s31] =	ssyncadd.s32 $0xFFFFC000  }
0xe2: {  	_ =	swait.ge @!p0 [sflag:s0], $0x4000  }
0xe3: {  	[sflag:s0] =	ssyncset.done @!p0 $0x0  }
0xe4: {  	s10 =	simm.s32 $0x0;
	[sflag:s0] =	ssyncadd.s32 @!p0 $0xFFFFC000  }
.LBB2_9:
0xe5: {  	s0 =	sshll.u32 s10, $0x9;
	s1 =	sshll.u32 s10, $0x7;
	s2 =	simm.s32 $0x0  }
0xe6: {  	s3 =	simm.s32 $0x0;
	s0 =	sand.u32 $0x3000, s0;
	s1 =	sand.u32 $0x300, s1  }
0xe7: {  	s7 =	sand.u32 $0x40, s3;
	s2 =	sand.u32 $0xC00, s2;
	s0 =	sor.u32 s1, s0  }
0xe8: {  	s11 =	sor.u32 s2, s7;
	s12 =	sor.u32 $0x4000, s0  }
0xe9: {  	s11 =	sor.u32 s12, s11  }
0xea: {  	v1 =	vld [tilespmem:s11+$0x81B0]  }
0xeb: {  	v2 =	vld [tilespmem:s11+$0x8180]  }
0xec: {  	v3 =	vld [tilespmem:s11+$0x8190]  }
0xed: {  	v4 =	vld [tilespmem:s11+$0x81A0]  }
0xee: {  	s4 =	simm.s32 $0x40;
	s5 =	simm.s32 $0x200;
	v5 =	vld [tilespmem:s11+$0x180]  }
0xef: {  	s13 =	sand.u32 $0x40, s4;
	s29 =	sand.u32 $0xC00, s5;
	v9 =	vld [tilespmem:s11+$0x190]  }
0xf0: {  	s0 =	sor.u32 s29, s13;
	v0 =	vld [tilespmem:s11+$0x1A0]  }
0xf1: {  	s3 =	sor.u32 s12, s0;
	v10 =	vld [tilespmem:s11+$0x1B0]  }
0xf2: {  	v7 =	vld [tilespmem:s3+$0x81B0]  }
0xf3: {  	v8 =	vld.idx.msk [tilespmem:v1+s28+$0x0], $0xffff  }
0xf4: {  	v2 =	vld.idx.msk [tilespmem:v2+s28+$0x0], $0xffff  }
0xf5: {  	v11 =	vld.idx.msk [tilespmem:v3+s28+$0x0], $0xffff  }
0xf6: {  	v6 =	vld [tilespmem:s3+$0x8180]  }
0xf7: {  	v1 =	vld [tilespmem:s3+$0x8190]  }
0xf8: {  	v3 =	vmul.f32 v10, v8;
	v8 =	vld [tilespmem:s3+$0x81A0]  }
0xf9: {  	v10 =	vmul.f32 v5, v2;
	v5 =	vld.idx.msk [tilespmem:v4+s28+$0x0], $0xffff  }
0xfa: {  	v9 =	vmul.f32 v9, v11;
	v2 =	vld [tilespmem:s3+$0x190];
	[tilespmem:s11+$0x101B0] =	vst v3  }
0xfb: {  	v4 =	vld [tilespmem:s3+$0x1A0];
	[tilespmem:s11+$0x10180] =	vst v10  }
0xfc: {  	s13 =	smov.u32 s11;
	v3 =	vld [tilespmem:s3+$0x180];
	[tilespmem:s11+$0x10190] =	vst v9  }
.LBB2_10:
0xfd: {  	s4 =	sadd.s32 $0x40, s4;
	v9 =	vld.idx.msk [tilespmem:v7+s28+$0x0], $0xffff;
	s5 =	sadd.s32 $0x200, s5;
	v10 =	vmov v8  }
0xfe: {  	s0 =	sand.u32 $0x40, s4;
	s1 =	sand.u32 $0xC00, s5;
	p0 =	slt.u32 s4, $0x1C0;
	v8 =	vld [tilespmem:s3+$0x1B0]  }
0xff: {  	v5 =	vmul.f32 v0, v5;
	s0 =	sor.u32 s1, s0;
	v11 =	vld.idx.msk [tilespmem:v6+s28+$0x0], $0xffff  }
0x100: {  	s0 =	sor.u32 s12, s0;
	v12 =	vld.idx.msk [tilespmem:v1+s28+$0x0], $0xffff  }
0x101: {  	v7 =	vld [tilespmem:s0+$0x81B0];
	[tilespmem:s13+$0x101A0] =	vst v5;
	v0 =	vmov v4;
	s13 =	smov.u32 s3;
	s3 =	smov.u32 s0  }
0x102: {  	v6 =	vld [tilespmem:s3+$0x8180]  }
0x103: {  	v1 =	vld [tilespmem:s3+$0x8190];
	v4 =	vmul.f32 v8, v9  }
.Ltmp3:
0x104: {  	v8 =	vld [tilespmem:s3+$0x81A0];
	(pc) =	sbr.rel @p0 .LBB2_10-.Ltmp3, $4  }
0x105: {  	v9 =	vmul.f32 v3, v11;
	v5 =	vld.idx.msk [tilespmem:v10+s28+$0x0], $0xffff;
	[tilespmem:s13+$0x101B0] =	vst v4  }
0x106: {  	v10 =	vmul.f32 v2, v12;
	v3 =	vld [tilespmem:s3+$0x180]  }
0x107: {  	v2 =	vld [tilespmem:s3+$0x190];
	[tilespmem:s13+$0x10180] =	vst v9  }
0x108: {  	v4 =	vld [tilespmem:s3+$0x1A0];
	[tilespmem:s13+$0x10190] =	vst v10  }
0x109: {  	_ =	sdelay $0x3  }
0x10a: {  	v7 =	vld.idx.msk [tilespmem:v7+s28+$0x0], $0xffff  }
0x10b: {  	v9 =	vld [tilespmem:s3+$0x1B0]  }
0x10c: {  	v6 =	vld.idx.msk [tilespmem:v6+s28+$0x0], $0xffff  }
0x10d: {  	v10 =	vld.idx.msk [tilespmem:v1+s28+$0x0], $0xffff  }
0x10e: {  	v11 =	vld [tilespmem:s11+$0x8230]  }
0x10f: {  	v8 =	vld.idx.msk [tilespmem:v8+s28+$0x0], $0xffff  }
0x110: {  	v12 =	vld [tilespmem:s11+$0x8200]  }
0x111: {  	v13 =	vld [tilespmem:s11+$0x8210]  }
0x112: {  	v14 =	vld [tilespmem:s11+$0x8220]  }
0x113: {  	v15 =	vld [tilespmem:s11+$0x200];
	s5 =	simm.s32 $0x40;
	s7 =	simm.s32 $0x200  }
0x114: {  	v16 =	vld [tilespmem:s11+$0x210];
	s0 =	sand.u32 $0x40, s5;
	s1 =	sand.u32 $0xC00, s7  }
0x115: {  	v1 =	vld [tilespmem:s11+$0x220];
	s0 =	sor.u32 s1, s0  }
0x116: {  	v17 =	vld [tilespmem:s11+$0x230];
	s4 =	sor.u32 s12, s0  }
0x117: {  	v0 =	vmul.f32 v0, v5;
	v5 =	vld [tilespmem:s4+$0x8230]  }
0x118: {  	v11 =	vld.idx.msk [tilespmem:v11+s28+$0x0], $0xffff  }
0x119: {  	v7 =	vmul.f32 v9, v7;
	v12 =	vld.idx.msk [tilespmem:v12+s28+$0x0], $0xffff  }
0x11a: {  	[tilespmem:s13+$0x101A0] =	vst v0;
	v0 =	vmul.f32 v3, v6;
	v9 =	vld.idx.msk [tilespmem:v13+s28+$0x0], $0xffff  }
0x11b: {  	v2 =	vmul.f32 v2, v10;
	v3 =	vld [tilespmem:s4+$0x8200];
	[tilespmem:s3+$0x101B0] =	vst v7  }
0x11c: {  	[tilespmem:s3+$0x10180] =	vst v0;
	v0 =	vmul.f32 v4, v8;
	v4 =	vld [tilespmem:s4+$0x8210]  }
0x11d: {  	[tilespmem:s3+$0x10190] =	vst v2;
	v8 =	vld [tilespmem:s4+$0x8220];
	v2 =	vmul.f32 v17, v11  }
0x11e: {  	v6 =	vld.idx.msk [tilespmem:v14+s28+$0x0], $0xffff;
	[tilespmem:s3+$0x101A0] =	vst v0;
	v7 =	vmul.f32 v15, v12  }
0x11f: {  	v0 =	vld [tilespmem:s4+$0x210];
	v9 =	vmul.f32 v16, v9;
	[tilespmem:s11+$0x10230] =	vst v2  }
0x120: {  	v2 =	vld [tilespmem:s4+$0x200];
	[tilespmem:s11+$0x10200] =	vst v7  }
0x121: {  	v7 =	vld [tilespmem:s4+$0x220];
	[tilespmem:s11+$0x10210] =	vst v9  }
.LBB2_12:
0x122: {  	s5 =	sadd.s32 $0x40, s5;
	v9 =	vld.idx.msk [tilespmem:v5+s28+$0x0], $0xffff;
	s7 =	sadd.s32 $0x200, s7;
	v10 =	vmov v8  }
0x123: {  	s0 =	sand.u32 $0x40, s5;
	s1 =	sand.u32 $0xC00, s7;
	p0 =	slt.u32 s5, $0x1C0;
	v8 =	vld [tilespmem:s4+$0x230]  }
0x124: {  	s0 =	sor.u32 s1, s0;
	v11 =	vld.idx.msk [tilespmem:v3+s28+$0x0], $0xffff;
	v3 =	vmul.f32 v1, v6  }
0x125: {  	s0 =	sor.u32 s12, s0;
	v12 =	vld.idx.msk [tilespmem:v4+s28+$0x0], $0xffff  }
0x126: {  	v5 =	vld [tilespmem:s0+$0x8230];
	[tilespmem:s11+$0x10220] =	vst v3;
	v1 =	vmov v7;
	s11 =	smov.u32 s4;
	s4 =	smov.u32 s0  }
0x127: {  	v3 =	vld [tilespmem:s4+$0x8200]  }
0x128: {  	v4 =	vld [tilespmem:s4+$0x8210];
	v7 =	vmul.f32 v8, v9  }
.Ltmp4:
0x129: {  	v8 =	vld [tilespmem:s4+$0x8220];
	(pc) =	sbr.rel @p0 .LBB2_12-.Ltmp4, $4  }
0x12a: {  	v9 =	vmul.f32 v2, v11;
	v6 =	vld.idx.msk [tilespmem:v10+s28+$0x0], $0xffff;
	[tilespmem:s11+$0x10230] =	vst v7  }
0x12b: {  	v10 =	vmul.f32 v0, v12;
	v2 =	vld [tilespmem:s4+$0x200]  }
0x12c: {  	v0 =	vld [tilespmem:s4+$0x210];
	[tilespmem:s11+$0x10200] =	vst v9  }
0x12d: {  	v7 =	vld [tilespmem:s4+$0x220];
	[tilespmem:s11+$0x10210] =	vst v10  }
0x12e: {  	_ =	sdelay $0x3  }
0x12f: {  	v5 =	vld.idx.msk [tilespmem:v5+s28+$0x0], $0xffff  }
0x130: {  	v9 =	vld [tilespmem:s4+$0x230]  }
0x131: {  	v3 =	vld.idx.msk [tilespmem:v3+s28+$0x0], $0xffff  }
0x132: {  	v4 =	vld.idx.msk [tilespmem:v4+s28+$0x0], $0xffff  }
0x133: {  	v8 =	vld.idx.msk [tilespmem:v8+s28+$0x0], $0xffff  }
0x134: {  	v1 =	vmul.f32 v1, v6  }
0x135: {  	p0 =	slt.u32 s10, $0x1E;
	v5 =	vmul.f32 v9, v5  }
.Ltmp5:
0x136: {  	[tilespmem:s11+$0x10220] =	vst v1;
	v62 =	vmul.f32 v2, v3;
	(pc) =	sbr.rel @p0 .LBB2_9-.Ltmp5, $4  }
0x137: {  	v0 =	vmul.f32 v0, v4;
	[tilespmem:s4+$0x10230] =	vst v5  }
0x138: {  	v63 =	vmul.f32 v7, v8;
	[tilespmem:s4+$0x10200] =	vst v62  }
0x139: {  	s0 =	sadd.s32 $0x2, s10;
	[tilespmem:s4+$0x10210] =	vst v0  }
0x13a: {  	s10 =	smov.u32 s0;
	[tilespmem:s4+$0x10220] =	vst v63  }
0x13b: {  	s0 =	sadd.s32 s9, s15;
	s1 =	simm.s32 $0x14180;
	p0 =	seq.s32 s21, $0x2  }
0x13c: {  	[hbm4b:s0+s19] =	stream.strided.scatter [tilespmem:s1], [sflag:$0x6], $0x4000, s20, s19, $0x38;
	[tilespmem:$0x18180] =	vst v63  }
0x13d: {  	s0 =	sadd.s32 @!p0 s14, s23  }
0x13e: {  	s2 =	simm.s32 @!p0 $0x1000;
	s0 =	sshrl.u32 @!p0 s0, $0x3  }
0x13f: {  	s3 =	simm.s32 @!p0 $0x20000;
	s4 =	simm.s32 @!p0 $0x4180;
	s1 =	sadd.s32 @!p0 s6, s0  }
0x140: {  	[tilespmem:s4], [sflag:$0x2] =	stream.strided.gather @!p0 [hbm4b:s1+s2], $0x4000, s3, s2, $0x38;
	[tilespmem:$0x18180] =	vst v63  }
0x141: {  	s0 =	sadd.s32 @!p0 s16, s0;
	s1 =	simm.s32 @!p0 $0xC180  }
0x142: {  	[tilespmem:s1], [sflag:$0x4] =	stream.strided.gather @!p0 [hbm4b:s0+s2], $0x4000, s3, s2, $0x38;
	[tilespmem:$0x18180] =	vst v63  }
0x143: {  	_ =	swait.ge [sflag:s25], $0x4000  }
0x144: {  	[sflag:s25] =	ssyncset.done $0x0  }
0x145: {  	[sflag:s25] =	ssyncadd.s32 $0xFFFFC000  }
0x146: {  	_ =	swait.ge [sflag:s26], $0x4000  }
0x147: {  	p0 =	sne.s32 s21, $0x0;
	[sflag:s26] =	ssyncset.done $0x0  }
0x148: {  	s0 =	simm.s32 @p0 $0x5;
	[sflag:s26] =	ssyncadd.s32 $0xFFFFC000  }
0x149: {  	_ =	swait.ge @p0 [sflag:s0], $0x4000  }
0x14a: {  	[sflag:s0] =	ssyncset.done @p0 $0x0  }
0x14b: {  	[sflag:s0] =	ssyncadd.s32 @p0 $0xFFFFC000;
	s0 =	simm.s32 @!p0 $0x7  }
0x14c: {  	_ =	swait.ge @!p0 [sflag:s0], $0x1000  }
0x14d: {  	[sflag:s0] =	ssyncset.done @!p0 $0x0  }
0x14e: {  	s9 =	simm.s32 $0x0;
	s23 =	simm.s32 $0x0;
	[sflag:s0] =	ssyncadd.s32 @!p0 $0xFFFFF000  }
.LBB2_15:
0x14f: {  	s0 =	sshll.u32 s23, $0x9  }
0x150: {  	s1 =	sshll.u32 s23, $0x7;
	s2 =	simm.s32 $0x0;
	s11 =	sand.u32 $0xC00, s9  }
0x151: {  	s0 =	sand.u32 $0x3000, s0;
	s1 =	sand.u32 $0x300, s1;
	s4 =	sand.u32 $0x40, s2  }
0x152: {  	s10 =	sor.u32 s1, s0;
	s12 =	sor.u32 s11, s4  }
0x153: {  	s3 =	sor.u32 s10, s12  }
0x154: {  	v1 =	vld [tilespmem:s3+$0x81B0]  }
0x155: {  	v2 =	vld [tilespmem:s3+$0x8180]  }
0x156: {  	v3 =	vld [tilespmem:s3+$0x8190]  }
0x157: {  	v4 =	vld [tilespmem:s3+$0x81A0]  }
0x158: {  	s7 =	simm.s32 $0x40;
	s11 =	simm.s32 $0x200;
	v5 =	vld [tilespmem:s3+$0x180]  }
0x159: {  	s13 =	sand.u32 $0x40, s7;
	s29 =	sand.u32 $0xC00, s11;
	v9 =	vld [tilespmem:s3+$0x190]  }
0x15a: {  	v0 =	vld [tilespmem:s3+$0x1A0];
	s0 =	sor.u32 s29, s13  }
0x15b: {  	v8 =	vld [tilespmem:s3+$0x1B0];
	s5 =	sor.u32 s10, s0  }
0x15c: {  	v7 =	vld [tilespmem:s5+$0x81B0]  }
0x15d: {  	v1 =	vld.idx.msk [tilespmem:v1+s28+$0x0], $0xffff  }
0x15e: {  	v10 =	vld.idx.msk [tilespmem:v2+s28+$0x0], $0xffff  }
0x15f: {  	v11 =	vld.idx.msk [tilespmem:v3+s28+$0x0], $0xffff  }
0x160: {  	v6 =	vld [tilespmem:s5+$0x8180]  }
0x161: {  	v2 =	vld [tilespmem:s5+$0x8190]  }
0x162: {  	v1 =	vmul.f32 v8, v1;
	v8 =	vld [tilespmem:s5+$0x81A0]  }
0x163: {  	v3 =	vld [tilespmem:s5+$0x180];
	v10 =	vmul.f32 v5, v10  }
0x164: {  	v5 =	vld.idx.msk [tilespmem:v4+s28+$0x0], $0xffff;
	v9 =	vmul.f32 v9, v11;
	[tilespmem:s3+$0x101B0] =	vst v1  }
0x165: {  	v4 =	vld [tilespmem:s5+$0x1A0];
	[tilespmem:s3+$0x10180] =	vst v10  }
0x166: {  	v1 =	vld [tilespmem:s5+$0x190];
	[tilespmem:s3+$0x10190] =	vst v9  }
.LBB2_16:
0x167: {  	s7 =	sadd.s32 $0x40, s7;
	v9 =	vld.idx.msk [tilespmem:v7+s28+$0x0], $0xffff;
	s11 =	sadd.s32 $0x200, s11;
	v10 =	vmov v8  }
0x168: {  	s0 =	sand.u32 $0x40, s7;
	s1 =	sand.u32 $0xC00, s11;
	p0 =	slt.u32 s7, $0x1C0;
	v8 =	vld [tilespmem:s5+$0x1B0]  }
0x169: {  	v5 =	vmul.f32 v0, v5;
	s0 =	sor.u32 s1, s0;
	v11 =	vld.idx.msk [tilespmem:v6+s28+$0x0], $0xffff  }
0x16a: {  	s0 =	sor.u32 s10, s0;
	v12 =	vld.idx.msk [tilespmem:v2+s28+$0x0], $0xffff  }
0x16b: {  	v7 =	vld [tilespmem:s0+$0x81B0];
	[tilespmem:s3+$0x101A0] =	vst v5;
	v0 =	vmov v4;
	s3 =	smov.u32 s5;
	s5 =	smov.u32 s0  }
0x16c: {  	v6 =	vld [tilespmem:s5+$0x8180]  }
0x16d: {  	v2 =	vld [tilespmem:s5+$0x8190];
	v4 =	vmul.f32 v8, v9  }
.Ltmp6:
0x16e: {  	v8 =	vld [tilespmem:s5+$0x81A0];
	(pc) =	sbr.rel @p0 .LBB2_16-.Ltmp6, $4  }
0x16f: {  	v9 =	vmul.f32 v3, v11;
	v5 =	vld.idx.msk [tilespmem:v10+s28+$0x0], $0xffff;
	[tilespmem:s3+$0x101B0] =	vst v4  }
0x170: {  	v10 =	vmul.f32 v1, v12;
	v3 =	vld [tilespmem:s5+$0x180]  }
0x171: {  	v1 =	vld [tilespmem:s5+$0x190];
	[tilespmem:s3+$0x10180] =	vst v9  }
0x172: {  	v4 =	vld [tilespmem:s5+$0x1A0];
	[tilespmem:s3+$0x10190] =	vst v10  }
0x173: {  	_ =	sdelay $0x3  }
0x174: {  	v7 =	vld.idx.msk [tilespmem:v7+s28+$0x0], $0xffff  }
0x175: {  	s0 =	simm.s32 $0x0;
	v9 =	vld [tilespmem:s5+$0x1B0]  }
0x176: {  	v6 =	vld.idx.msk [tilespmem:v6+s28+$0x0], $0xffff;
	s0 =	sand.u32 $0xC00, s0  }
0x177: {  	v10 =	vld.idx.msk [tilespmem:v2+s28+$0x0], $0xffff;
	s0 =	sor.u32 s0, s4  }
0x178: {  	v8 =	vld.idx.msk [tilespmem:v8+s28+$0x0], $0xffff;
	s11 =	sor.u32 s10, s0  }
0x179: {  	v11 =	vld [tilespmem:s11+$0x8230]  }
0x17a: {  	v12 =	vld [tilespmem:s11+$0x8200]  }
0x17b: {  	v13 =	vld [tilespmem:s11+$0x8210]  }
0x17c: {  	v14 =	vld [tilespmem:s11+$0x8220]  }
0x17d: {  	s7 =	simm.s32 $0x40;
	s12 =	simm.s32 $0x200;
	v15 =	vld [tilespmem:s11+$0x200]  }
0x17e: {  	s29 =	sand.u32 $0x40, s7;
	s1 =	sand.u32 $0xC00, s12;
	v16 =	vld [tilespmem:s11+$0x210]  }
0x17f: {  	s0 =	sor.u32 s1, s29;
	v2 =	vld [tilespmem:s11+$0x220]  }
0x180: {  	v17 =	vld [tilespmem:s11+$0x230];
	s4 =	sor.u32 s10, s0  }
0x181: {  	v0 =	vmul.f32 v0, v5;
	v5 =	vld [tilespmem:s4+$0x8230]  }
0x182: {  	v11 =	vld.idx.msk [tilespmem:v11+s28+$0x0], $0xffff  }
0x183: {  	v7 =	vmul.f32 v9, v7;
	v12 =	vld.idx.msk [tilespmem:v12+s28+$0x0], $0xffff  }
0x184: {  	[tilespmem:s3+$0x101A0] =	vst v0;
	v0 =	vmul.f32 v3, v6;
	v9 =	vld.idx.msk [tilespmem:v13+s28+$0x0], $0xffff  }
0x185: {  	v1 =	vmul.f32 v1, v10;
	v3 =	vld [tilespmem:s4+$0x8200];
	[tilespmem:s5+$0x101B0] =	vst v7  }
0x186: {  	[tilespmem:s5+$0x10180] =	vst v0;
	v0 =	vmul.f32 v4, v8;
	v4 =	vld [tilespmem:s4+$0x8210]  }
0x187: {  	[tilespmem:s5+$0x10190] =	vst v1;
	v8 =	vld [tilespmem:s4+$0x8220];
	v1 =	vmul.f32 v17, v11  }
0x188: {  	[tilespmem:s5+$0x101A0] =	vst v0;
	v0 =	vld [tilespmem:s4+$0x210];
	v7 =	vmul.f32 v15, v12  }
0x189: {  	v6 =	vld.idx.msk [tilespmem:v14+s28+$0x0], $0xffff;
	v9 =	vmul.f32 v16, v9;
	[tilespmem:s11+$0x10230] =	vst v1  }
0x18a: {  	v1 =	vld [tilespmem:s4+$0x200];
	[tilespmem:s11+$0x10200] =	vst v7  }
0x18b: {  	v7 =	vld [tilespmem:s4+$0x220];
	[tilespmem:s11+$0x10210] =	vst v9  }
.LBB2_18:
0x18c: {  	s7 =	sadd.s32 $0x40, s7;
	v9 =	vld.idx.msk [tilespmem:v5+s28+$0x0], $0xffff;
	s12 =	sadd.s32 $0x200, s12;
	v10 =	vmov v8  }
0x18d: {  	s0 =	sand.u32 $0x40, s7;
	s1 =	sand.u32 $0xC00, s12;
	p0 =	slt.u32 s7, $0x1C0;
	v8 =	vld [tilespmem:s4+$0x230]  }
0x18e: {  	s0 =	sor.u32 s1, s0;
	v11 =	vld.idx.msk [tilespmem:v3+s28+$0x0], $0xffff;
	v3 =	vmul.f32 v2, v6  }
0x18f: {  	s0 =	sor.u32 s10, s0;
	v12 =	vld.idx.msk [tilespmem:v4+s28+$0x0], $0xffff  }
0x190: {  	v5 =	vld [tilespmem:s0+$0x8230];
	[tilespmem:s11+$0x10220] =	vst v3;
	v2 =	vmov v7;
	s11 =	smov.u32 s4;
	s4 =	smov.u32 s0  }
0x191: {  	v3 =	vld [tilespmem:s4+$0x8200]  }
0x192: {  	v4 =	vld [tilespmem:s4+$0x8210];
	v7 =	vmul.f32 v8, v9  }
.Ltmp7:
0x193: {  	v8 =	vld [tilespmem:s4+$0x8220];
	(pc) =	sbr.rel @p0 .LBB2_18-.Ltmp7, $4  }
0x194: {  	v9 =	vmul.f32 v1, v11;
	v6 =	vld.idx.msk [tilespmem:v10+s28+$0x0], $0xffff;
	[tilespmem:s11+$0x10230] =	vst v7  }
0x195: {  	v10 =	vmul.f32 v0, v12;
	v1 =	vld [tilespmem:s4+$0x200]  }
0x196: {  	v0 =	vld [tilespmem:s4+$0x210];
	[tilespmem:s11+$0x10200] =	vst v9  }
0x197: {  	v7 =	vld [tilespmem:s4+$0x220];
	[tilespmem:s11+$0x10210] =	vst v10  }
0x198: {  	_ =	sdelay $0x3  }
0x199: {  	v5 =	vld.idx.msk [tilespmem:v5+s28+$0x0], $0xffff  }
0x19a: {  	v9 =	vld [tilespmem:s4+$0x230]  }
0x19b: {  	v3 =	vld.idx.msk [tilespmem:v3+s28+$0x0], $0xffff  }
0x19c: {  	v4 =	vld.idx.msk [tilespmem:v4+s28+$0x0], $0xffff  }
0x19d: {  	v8 =	vld.idx.msk [tilespmem:v8+s28+$0x0], $0xffff  }
0x19e: {  	v2 =	vmul.f32 v2, v6  }
0x19f: {  	p0 =	slt.u32 s23, $0x1E;
	v5 =	vmul.f32 v9, v5  }
.Ltmp8:
0x1a0: {  	[tilespmem:s11+$0x10220] =	vst v2;
	v1 =	vmul.f32 v1, v3;
	(pc) =	sbr.rel @p0 .LBB2_15-.Ltmp8, $4  }
0x1a1: {  	v0 =	vmul.f32 v0, v4;
	[tilespmem:s4+$0x10230] =	vst v5  }
0x1a2: {  	v63 =	vmul.f32 v7, v8;
	[tilespmem:s4+$0x10200] =	vst v1  }
0x1a3: {  	s0 =	sadd.s32 $0x2, s23;
	[tilespmem:s4+$0x10210] =	vst v0  }
0x1a4: {  	s23 =	smov.u32 s0;
	[tilespmem:s4+$0x10220] =	vst v63  }
0x1a5: {  	s21 =	sadd.s32 $0x1, s21  }
0x1a6: {  	p0 =	sne.s32 s21, $0x3  }
.Ltmp9:
0x1a7: {  	_ = 	snop;
	(pc) =	sbr.rel @p0 .LBB2_8-.Ltmp9, $3  }
0x1a8: {  	_ =	sdelay $0x1  }
0x1a9: {  	s0 =	sadd.s32 s17, s22;
	s1 =	simm.s32 $0x10180  }
0x1aa: {  	[hbm4b:s0+s19] =	stream.strided.scatter [tilespmem:s1], [sflag:$0x5], $0x4000, s20, s19, $0x38;
	[tilespmem:$0x18180] =	vst v63  }
0x1ab: {  	s0 =	simm.s32 $0x6  }
0x1ac: {  	_ =	swait.ge [sflag:s0], $0x4000  }
0x1ad: {  	[sflag:s0] =	ssyncset.done $0x0  }
0x1ae: {  	s1 =	simm.s32 $0x5;
	[sflag:s0] =	ssyncadd.s32 $0xFFFFC000  }
0x1af: {  	_ =	swait.ge [sflag:s1], $0x4000  }
0x1b0: {  	s2 =	rddreg [dreg:$0xc]  }
0x1b1: {  	s29 =	rddreg [dreg:$0xb];
	s2 =	sadd.s32 $0x1, s2  }
0x1b2: {  	p0 =	sne.s32 s2, s29  }
.Ltmp10:
0x1b3: {  	_ = 	snop;
	(pc) =	sbr.rel @p0 .LBB2_1-.Ltmp10, $3  }
0x1b4: {  	_ =	sdelay $0x1  }
0x1b5: {  	[sflag:s1] =	ssyncset.done $0x0  }
0x1b6: {  	[sflag:s1] =	ssyncadd.s32 $0xFFFFC000  }
0x1b7: {  	_ =	sfence.sel $0x180000  }
0x1b8: {  	[bflag:$0x0] =	sbarrier.arrive $0xFFFF  }
0x1b9: {  	_ =	strace $0x90000047  }
0x1ba: {  	s0 =	stileid.u32;
	[bflag:$0x2] =	sbarrier.arrive $0xFFFF  }
0x1bb: {  	p0 =	sne.s32 s0, $0x0;
	s0 =	rddreg [dreg:$0x5]  }
0x1bc: {  	s0 =	sadd.s32 @!p0 $0x100000, s0  }
0x1bd: {  	[sflag:s0] =	ssyncadd.tile.s32 @!p0 $0x1;
	_ =	shalt  }
.Lfunc_end2:
_tile_overlayer_lowered:
.L_overlay_start_2:
0x1be: {  	(tag) =	ssettag $0x2  }
0x1bf: {  	s0 =	rddreg [dreg:$0x0];
	s2 =	stileid.u32  }
0x1c0: {  	s1 =	rddreg [dreg:$0x1];
	p0 =	sne.s32 s2, $0x0  }
0x1c1: {  	s3 =	rddreg [dreg:$0x2];
	[bflag:$0x3] =	sbarrier.arrive $0xFFFF;
	s2 =	simm.s32 @!p0 $0x1C08  }
0x1c2: {  	[timem:s3], [sflag:s2] =	dma.local @!p0 [hbm:s0], s1  }
0x1c3: {  	s0 =	simm.s32 @!p0 $0x8  }
0x1c4: {  	_ =	swait.ge @!p0 [sflag:s0], s1  }
0x1c5: {  	s1 =	ssub.s32 @!p0 $0x0, s1;
	[sflag:s0] =	ssyncset.done @!p0 $0x0  }
0x1c6: {  	[sflag:s0] =	ssyncadd.s32 @!p0 s1  }
0x1c7: {  	[bflag:$0x3] =	sbarrier.arrive $0xFFFF  }
0x1c8: {  	_ =	shalt  }

</sc_bundles>
